<compile_context>
chip_gen: v7x
topology: tpu7x:2x2x1
jax: 0.10.2.dev20260603
libtpu: 0.0.44.dev20260713+nightly
codegen_flags: <defaults>
</compile_context>

<pallas_src>
import functools

import jax
import jax.numpy as jnp
from jax import lax
from jax.experimental import pallas as pl
from jax.experimental.pallas import tpu as pltpu
from jax.experimental.pallas import tpu_sc as plsc

N_EMB = 512
E_DIM = 64
ALPHA = 0.001
EPS = 1e-8
KB = 32


def _prep_body(xf_ref, w_ref, rp_ref,
               w0n_ref, q1t_ref, q1r_ref, q2a_ref, pisc_ref, idx_ref, sp_ref):
    n = xf_ref.shape[0]
    seg = 256
    f32 = jnp.float32
    xf = xf_ref[...]
    w = w_ref[...]
    ones_row = jnp.ones((1, E_DIM), f32)

    x2c = jnp.sum(xf * xf, axis=1, keepdims=True)
    w2c = jnp.sum(w * w, axis=1, keepdims=True)
    x2r = lax.dot_general(ones_row, xf * xf, (((1,), (1,)), ((), ())),
                          preferred_element_type=f32)
    w2r = lax.dot_general(ones_row, w * w, (((1,), (1,)), ((), ())),
                          preferred_element_type=f32)
    mm = lax.dot_general(xf, w, (((1,), (1,)), ((), ())),
                         preferred_element_type=f32)
    mmt = lax.dot_general(w, xf, (((1,), (1,)), ((), ())),
                          preferred_element_type=f32)
    d = (x2c + w2r) - 2.0 * mm
    dt = (w2c + x2r) - 2.0 * mmt

    mn = jnp.min(d, axis=1, keepdims=True)
    iota_k = lax.broadcasted_iota(jnp.int32, (n, N_EMB), 1)
    cand = jnp.where(d == mn, iota_k, jnp.int32(N_EMB))
    idxc = jnp.min(cand, axis=1, keepdims=True)
    idx_ref[...] = idxc
    onehot = (iota_k == idxc).astype(f32)
    counts = jnp.sum(onehot, axis=0, keepdims=True)
    p = counts * (1.0 / n)
    rp = rp_ref[...]
    kl = jnp.sum(p * (jnp.log(p + 1e-10) - jnp.log(rp + 1e-10)))
    mse = jnp.sum(mn) * (1.0 / (n * E_DIM))
    sp_ref[...] = jnp.full((1, 1), 0.0, f32) + (1.25 * mse + 1.0 * kl)

    mx = jnp.max(d, axis=1, keepdims=True)
    sh = d - mx
    lse = jnp.log(jnp.sum(jnp.exp(sh), axis=1, keepdims=True))
    q = sh - lse
    mxr = jnp.max(dt, axis=0, keepdims=True)
    sht = dt - mxr
    lser = jnp.log(jnp.sum(jnp.exp(sht), axis=0, keepdims=True))
    qt = sht - lser

    lane_f = lax.broadcasted_iota(jnp.int32, (1, n), 1) % seg
    w0 = jnp.where(lane_f < seg - 2, qt, 0.0)
    q1t = jnp.concatenate([qt[:, 1:], qt[:, :1]], axis=1)
    q2s = jnp.concatenate([q[2:], q[:2]], axis=0)

    qpt = jnp.where(lane_f < seg - 1, qt, 0.0)
    cp = lax.dot_general(qpt, q1t, (((1,), (1,)), ((), ())),
                         preferred_element_type=f32)
    pi = cp * (1.0 / (jnp.sum(cp) + EPS))

    r2row = lax.dot_general(jnp.ones((1, n), f32), q2s,
                            (((1,), (1,)), ((), ())),
                            preferred_element_type=f32)
    s0km = lax.dot_general(w0 * r2row, q1t, (((1,), (1,)), ((), ())),
                           preferred_element_type=f32)
    dkm = s0km + (N_EMB * ALPHA + EPS)
    pisc_ref[...] = jnp.float32(0.6931471805599453) * pi / dkm

    bf16 = jnp.bfloat16
    w0n_ref[...] = (-w0).astype(bf16)
    q1t_ref[...] = q1t.astype(bf16)
    q1r_ref[...] = (q1t * r2row).astype(bf16)
    q2a_ref[...] = q2s.astype(bf16)


def _h2_body(w0n_ref, pisc_ref, q1t_ref, q1r_ref, q2a_ref, sp_ref,
             out_ref, acc_ref, acc2_ref):
    i = pl.program_id(0)
    nb = pl.num_programs(0)
    f32 = jnp.float32

    @pl.when(i == 0)
    def _init():
        acc_ref[...] = jnp.zeros((1, N_EMB), f32)
        acc2_ref[...] = jnp.zeros((1, 1), f32)

    q1t = q1t_ref[...]
    q2a = q2a_ref[...]
    w0n = w0n_ref[...]
    s0t = lax.dot_general(w0n, q1r_ref[...], (((1,), (1,)), ((), ())),
                          preferred_element_type=f32)
    negdt = s0t - (N_EMB * ALPHA + EPS)
    vallt = -jnp.log2(negdt) * s0t
    acc2_ref[...] += jnp.sum(pisc_ref[...] * vallt).reshape(1, 1)
    for kk in range(KB):
        wrow = w0n[kk:kk + 1, :]
        bmat = q1t * wrow
        ncs = lax.dot_general(bmat, q2a, (((1,), (0,)), ((), ())),
                              preferred_element_type=f32)
        e = ncs * jnp.log2(ncs)
        pisc8 = jnp.where(
            lax.broadcasted_iota(jnp.int32, (8, N_EMB), 0) == 0,
            pisc_ref[kk:kk + 1, :], 0.0)
        acc_ref[...] += lax.dot_general(
            pisc8, e, (((1,), (0,)), ((), ())),
            preferred_element_type=f32)[0:1, :]

    @pl.when(i == nb - 1)
    def _fin():
        out_ref[...] = sp_ref[...] + 0.1 * (
            jnp.sum(acc_ref[...], axis=1, keepdims=True) + acc2_ref[...])


def _sc_gather(weight, idx):
    dpad = 128
    info = plsc.get_sparse_core_info()
    nw = info.num_cores * info.num_subcores
    bpw = N_EMB // nw
    mesh = plsc.VectorSubcoreMesh(core_axis_name="c", subcore_axis_name="s")

    @functools.partial(
        pl.kernel, mesh=mesh,
        out_type=jax.ShapeDtypeStruct((N_EMB, dpad), jnp.float32),
        scratch_types=[
            pltpu.VMEM((bpw,), jnp.int32),
            pltpu.VMEM((bpw, dpad), jnp.float32),
            pltpu.SemaphoreType.DMA,
        ],
    )
    def gk(table_hbm, idx_hbm, out_hbm, idx_v, rows_v, sem):
        wid = lax.axis_index("s") * info.num_cores + lax.axis_index("c")
        base = wid * bpw
        pltpu.sync_copy(idx_hbm.at[pl.ds(base, bpw)], idx_v)
        pltpu.async_copy(table_hbm.at[idx_v], rows_v, sem).wait()
        pltpu.sync_copy(rows_v, out_hbm.at[pl.ds(base, bpw)])

    wp = jnp.pad(weight, ((0, 0), (0, dpad - E_DIM)))
    return gk(wp, idx)[:, :E_DIM]


def kernel(x, batch, weight, running_prior):
    n = x.shape[0] * x.shape[1]
    xf = x.reshape(n, E_DIM)
    rp = running_prior.reshape(1, N_EMB)

    f32 = jnp.float32
    w0n, q1t, q1r, q2a, pisc, idx2d, sp = pl.pallas_call(
        _prep_body,
        out_shape=[
            jax.ShapeDtypeStruct((N_EMB, n), jnp.bfloat16),
            jax.ShapeDtypeStruct((N_EMB, n), jnp.bfloat16),
            jax.ShapeDtypeStruct((N_EMB, n), jnp.bfloat16),
            jax.ShapeDtypeStruct((n, N_EMB), jnp.bfloat16),
            jax.ShapeDtypeStruct((N_EMB, N_EMB), f32),
            jax.ShapeDtypeStruct((n, 1), jnp.int32),
            jax.ShapeDtypeStruct((1, 1), f32),
        ],
    )(xf, weight, rp)

    quant = _sc_gather(weight, idx2d.reshape(n))

    nb = N_EMB // KB
    total = pl.pallas_call(
        _h2_body,
        grid=(nb,),
        in_specs=[
            pl.BlockSpec((KB, n), lambda i: (i, 0)),
            pl.BlockSpec((KB, N_EMB), lambda i: (i, 0)),
            pl.BlockSpec((N_EMB, n), lambda i: (0, 0)),
            pl.BlockSpec((N_EMB, n), lambda i: (0, 0)),
            pl.BlockSpec((n, N_EMB), lambda i: (0, 0)),
            pl.BlockSpec((1, 1), lambda i: (0, 0)),
        ],
        out_specs=pl.BlockSpec((1, 1), lambda i: (0, 0)),
        out_shape=jax.ShapeDtypeStruct((1, 1), f32),
        scratch_shapes=[pltpu.VMEM((1, N_EMB), f32), pltpu.VMEM((1, 1), f32)],
    )(w0n, pisc, q1t, q1r, q2a, sp)

    return quant.reshape(x.shape), total[0, 0]

# --- scband reference (transcript-rebuilt; emitter-appended) ---
"""Pipeline reference for scband-vector-quantizer-ema-38371237822826 (READ-ONLY COPY).

The authoritative reference and input builder live on the scoring server;
editing this copy changes nothing except your own understanding.
"""

import jax, jax.numpy as jnp
import numpy as np

NUM_EMBEDDINGS = 512
EMBEDDING_DIM = 64
COMMITMENT_COST = 0.25
KLWEIGHT = 1.0
H2_WEIGHT = 0.1


def second_order_entropy_rate(q, alpha=0.001, eps=1e-08):
    B, L, K = q.shape
    q0 = q[:, :-2, :]
    q1 = q[:, 1:-1, :]
    q2 = q[:, 2:, :]
    C = jnp.einsum('btk,btm,btn->kmn', q0, q1, q2)
    C_smooth = C + alpha
    T_hat = C_smooth / (jnp.sum(C_smooth, axis=2, keepdims=True) + eps)
    C_pair = jnp.einsum('btk,btn->kn', q[:, :-1, :], q[:, 1:, :])
    pi_hat = C_pair / (jnp.sum(C_pair) + eps)
    H_cond = -jnp.sum(T_hat * jnp.log(T_hat + eps), axis=2)
    H2 = jnp.sum(pi_hat * H_cond)
    return H2


def setup_inputs(seed: int = 0) -> dict:
    key = jax.random.key(seed)
    k1, k2 = jax.random.split(key)
    x = jax.random.normal(k1, (2, 256, 64), dtype=jnp.float32)
    batch = jnp.zeros((2,), dtype=jnp.int32)  # only batch.shape[0] is used
    weight = jax.random.uniform(k2, (NUM_EMBEDDINGS, EMBEDDING_DIM), dtype=jnp.float32,
                                minval=-1.0 / NUM_EMBEDDINGS, maxval=1.0 / NUM_EMBEDDINGS)
    running_prior = jnp.ones((NUM_EMBEDDINGS,), dtype=jnp.float32) / NUM_EMBEDDINGS
    return {"x": x, "batch": batch, "weight": weight, "running_prior": running_prior}


def reference(x, batch, weight, running_prior):
    B = batch.shape[0]
    flat_x = x.reshape(-1, EMBEDDING_DIM)
    distances = (jnp.sum(flat_x ** 2, axis=1, keepdims=True)
                 + jnp.sum(weight ** 2, axis=1)
                 - 2.0 * jnp.matmul(flat_x, weight.T))
    encoding_indices = jnp.argmin(distances, axis=1)
    encodings = jax.nn.one_hot(encoding_indices, NUM_EMBEDDINGS, dtype=jnp.float32)
    quantized = jnp.matmul(encodings, weight).reshape(x.shape)
    e_latent_loss = jnp.mean((jax.lax.stop_gradient(quantized) - x) ** 2)
    q_latent_loss = jnp.mean((quantized - jax.lax.stop_gradient(x)) ** 2)
    loss = q_latent_loss + COMMITMENT_COST * e_latent_loss
    probabilities = jnp.mean(encodings, axis=0)
    kl_div_reg = jnp.sum(probabilities * (jnp.log(probabilities + 1e-10)
                                          - jnp.log(running_prior + 1e-10)))
    qindices = jax.nn.log_softmax(distances, axis=-1)
    qindices = qindices.reshape(B, -1, NUM_EMBEDDINGS)
    H2 = second_order_entropy_rate(qindices)
    total_loss = loss + KLWEIGHT * kl_div_reg + H2_WEIGHT * H2
    quantized_st = x + jax.lax.stop_gradient(quantized - x)
    return (quantized_st, total_loss)

if __name__ == "__main__":
    import jax
    _d = setup_inputs()
    print(jax.jit(kernel)(*tuple(_d.values())))

</pallas_src>

<mosaic_0001>
#map = affine_map<(d0, d1) -> (0, 0)>
#map1 = affine_map<(d0, d1) -> (0)>
module attributes {stable_mosaic.version = 14 : i64} {
  func.func @gk(%arg0: i32, %arg1: i32, %arg2: memref<512x128xf32, #tpu.memory_space<hbm>>, %arg3: memref<512xi32, #tpu.memory_space<hbm>>, %arg4: memref<512x128xf32, #tpu.memory_space<hbm>>, %arg5: memref<16xi32, #tpu.memory_space<vmem>>, %arg6: memref<16x128xf32, #tpu.memory_space<vmem>>, %arg7: memref<!tpu.dma_semaphore, #tpu.memory_space<semaphore_mem>>) attributes {dimension_semantics = [#tpu.dimension_semantics<core_parallel>, #tpu.dimension_semantics<subcore_parallel>], iteration_bounds = array<i64: 2, 16>, scalar_prefetch = 0 : i64, scratch_operands = 3 : i64, tpu.core_type = #tpu.core_type<sc_vector_subcore>, window_params = [{transform_indices = #map}, {transform_indices = #map1}, {transform_indices = #map}]} {
    %mul3A = arith.constant 2 : i32
    %mul3A_0 = arith.muli %arg1, %mul3A : i32
    %add3A = arith.addi %mul3A_0, %arg0 : i32
    %mul3A_1 = arith.constant 16 : i32
    %mul3A_2 = arith.muli %add3A, %mul3A_1 : i32
    "tpu.region"() ({
      %run_scoped3A = tpu.sem_alloc : memref<!tpu.dma_semaphore, #tpu.memory_space<semaphore_mem>>
      %dma_start3A_7 = tpu.memref_slice %arg3[%mul3A_2] : memref<512xi32, #tpu.memory_space<hbm>> -> memref<16xi32, #tpu.memory_space<hbm>>
      %dma_start3A_8 = tpu.memref_slice %arg3[%mul3A_2] : memref<512xi32, #tpu.memory_space<hbm>> -> memref<16xi32, #tpu.memory_space<hbm>>
      tpu.enqueue_dma source(%dma_start3A_8 : memref<16xi32, #tpu.memory_space<hbm>>) target(%arg5 : memref<16xi32, #tpu.memory_space<vmem>>) target_semaphore(%run_scoped3A : memref<!tpu.dma_semaphore, #tpu.memory_space<semaphore_mem>>)
      %dma_wait3A_9 = tpu.memref_slice %arg3[%mul3A_2] : memref<512xi32, #tpu.memory_space<hbm>> -> memref<16xi32, #tpu.memory_space<hbm>>
      %dma_wait3A_10 = tpu.memref_slice %arg3[%mul3A_2] : memref<512xi32, #tpu.memory_space<hbm>> -> memref<16xi32, #tpu.memory_space<hbm>>
      tpu.wait_dma2 semaphore(%run_scoped3A : memref<!tpu.dma_semaphore, #tpu.memory_space<semaphore_mem>>) src(%dma_wait3A_10 : memref<16xi32, #tpu.memory_space<hbm>>) dst(%arg5 : memref<16xi32, #tpu.memory_space<vmem>>)
      tpu.yield
    }) : () -> ()
    %dma_start3A = arith.constant 0 : i32
    %dma_start3A_3 = arith.constant 0 : i32
    %dma_start3A_4 = tpu.memref_slice %arg2[%dma_start3A, %dma_start3A_3] : memref<512x128xf32, #tpu.memory_space<hbm>> -> memref<512x128xf32, #tpu.memory_space<hbm>>
    tpu.enqueue_indirect_dma source(%dma_start3A_4 : memref<512x128xf32, #tpu.memory_space<hbm>>) target(%arg6 : memref<16x128xf32, #tpu.memory_space<vmem>>) offsets(%arg5 : memref<16xi32, #tpu.memory_space<vmem>>) semaphore(%arg7 : memref<!tpu.dma_semaphore, #tpu.memory_space<semaphore_mem>>)
    %dma_wait3A = arith.constant 0 : i32
    %dma_wait3A_5 = arith.constant 0 : i32
    %dma_wait3A_6 = tpu.memref_slice %arg2[%dma_wait3A, %dma_wait3A_5] : memref<512x128xf32, #tpu.memory_space<hbm>> -> memref<512x128xf32, #tpu.memory_space<hbm>>
    tpu.wait_indirect_dma semaphore(%arg7 : memref<!tpu.dma_semaphore, #tpu.memory_space<semaphore_mem>>) src(%dma_wait3A_6 : memref<512x128xf32, #tpu.memory_space<hbm>>) dst(%arg6 : memref<16x128xf32, #tpu.memory_space<vmem>>)
    "tpu.region"() ({
      %run_scoped3A = tpu.sem_alloc : memref<!tpu.dma_semaphore, #tpu.memory_space<semaphore_mem>>
      %dma_start3A_7 = arith.constant 0 : i32
      %dma_start3A_8 = tpu.memref_slice %arg4[%mul3A_2, %dma_start3A_7] : memref<512x128xf32, #tpu.memory_space<hbm>> -> memref<16x128xf32, #tpu.memory_space<hbm>>
      %dma_start3A_9 = arith.constant 0 : i32
      %dma_start3A_10 = tpu.memref_slice %arg4[%mul3A_2, %dma_start3A_9] : memref<512x128xf32, #tpu.memory_space<hbm>> -> memref<16x128xf32, #tpu.memory_space<hbm>>
      tpu.enqueue_dma source(%arg6 : memref<16x128xf32, #tpu.memory_space<vmem>>) target(%dma_start3A_10 : memref<16x128xf32, #tpu.memory_space<hbm>>) target_semaphore(%run_scoped3A : memref<!tpu.dma_semaphore, #tpu.memory_space<semaphore_mem>>)
      %dma_wait3A_11 = arith.constant 0 : i32
      %dma_wait3A_12 = tpu.memref_slice %arg4[%mul3A_2, %dma_wait3A_11] : memref<512x128xf32, #tpu.memory_space<hbm>> -> memref<16x128xf32, #tpu.memory_space<hbm>>
      %dma_wait3A_13 = arith.constant 0 : i32
      %dma_wait3A_14 = tpu.memref_slice %arg4[%mul3A_2, %dma_wait3A_13] : memref<512x128xf32, #tpu.memory_space<hbm>> -> memref<16x128xf32, #tpu.memory_space<hbm>>
      tpu.wait_dma2 semaphore(%run_scoped3A : memref<!tpu.dma_semaphore, #tpu.memory_space<semaphore_mem>>) src(%arg6 : memref<16x128xf32, #tpu.memory_space<vmem>>) dst(%dma_wait3A_14 : memref<16x128xf32, #tpu.memory_space<hbm>>)
      tpu.yield
    }) : () -> ()
    return
  }
}

module attributes {stable_mosaic.version = 14 : i64} {
  func.func @_prep_body(%arg0: memref<512x64xf32, #tpu.memory_space<vmem>>, %arg1: memref<512x64xf32, #tpu.memory_space<vmem>>, %arg2: memref<1x512xf32, #tpu.memory_space<vmem>>, %arg3: memref<512x512xbf16, #tpu.memory_space<vmem>>, %arg4: memref<512x512xbf16, #tpu.memory_space<vmem>>, %arg5: memref<512x512xbf16, #tpu.memory_space<vmem>>, %arg6: memref<512x512xbf16, #tpu.memory_space<vmem>>, %arg7: memref<512x512xf32, #tpu.memory_space<vmem>>, %arg8: memref<512x1xi32, #tpu.memory_space<vmem>>, %arg9: memref<1x1xf32, #tpu.memory_space<vmem>>) attributes {dimension_semantics = [], scalar_prefetch = 0 : i64, scratch_operands = 0 : i64, tpu.core_type = #tpu.core_type<tc>} {
    %get3A = arith.constant 0 : index
    %get3A_0 = arith.constant 0 : index
    %get3A_1 = vector.load %arg0[%get3A, %get3A_0] : memref<512x64xf32, #tpu.memory_space<vmem>>, vector<512x64xf32>
    %get3A_2 = arith.constant 0 : index
    %get3A_3 = arith.constant 0 : index
    %get3A_4 = vector.load %arg1[%get3A_2, %get3A_3] : memref<512x64xf32, #tpu.memory_space<vmem>>, vector<512x64xf32>
    %broadcast_in_dim3A = arith.constant 1.000000e+00 : f32
    %broadcast_in_dim3A_5 = vector.broadcast %broadcast_in_dim3A : f32 to vector<1x64xf32>
    %mul3A = arith.mulf %get3A_1, %get3A_1 : vector<512x64xf32>
    %reduce_sum3A = arith.constant dense<0.000000e+00> : vector<512xf32>
    %reduce_sum3A_6 = vector.multi_reduction <add>, %mul3A, %reduce_sum3A [1] : vector<512x64xf32> to vector<512xf32>
    %broadcast_in_dim3A_7 = vector.shape_cast %reduce_sum3A_6 : vector<512xf32> to vector<512x1xf32>
    %mul3A_8 = arith.mulf %get3A_4, %get3A_4 : vector<512x64xf32>
    %reduce_sum3A_9 = arith.constant dense<0.000000e+00> : vector<512xf32>
    %reduce_sum3A_10 = vector.multi_reduction <add>, %mul3A_8, %reduce_sum3A_9 [1] : vector<512x64xf32> to vector<512xf32>
    %broadcast_in_dim3A_11 = vector.shape_cast %reduce_sum3A_10 : vector<512xf32> to vector<512x1xf32>
    %mul3A_12 = arith.mulf %get3A_1, %get3A_1 : vector<512x64xf32>
    %dot_general3A = arith.constant dense<0.000000e+00> : vector<1x512xf32>
    %dot_general3A_13 = tpu.matmul %broadcast_in_dim3A_5, %mul3A_12, %dot_general3A {dimension_numbers = #tpu.dot_dimension_numbers<[1], [1], [0], [0], [0, 0, 1, 0], [], []>, transpose_lhs_hint = false} : vector<1x64xf32>, vector<512x64xf32>, vector<1x512xf32> -> vector<1x512xf32>
    %mul3A_14 = arith.mulf %get3A_4, %get3A_4 : vector<512x64xf32>
    %dot_general3A_15 = arith.constant dense<0.000000e+00> : vector<1x512xf32>
    %dot_general3A_16 = tpu.matmul %broadcast_in_dim3A_5, %mul3A_14, %dot_general3A_15 {dimension_numbers = #tpu.dot_dimension_numbers<[1], [1], [0], [0], [0, 0, 1, 0], [], []>, transpose_lhs_hint = false} : vector<1x64xf32>, vector<512x64xf32>, vector<1x512xf32> -> vector<1x512xf32>
    %dot_general3A_17 = arith.constant dense<0.000000e+00> : vector<512x512xf32>
    %dot_general3A_18 = tpu.matmul %get3A_1, %get3A_4, %dot_general3A_17 {dimension_numbers = #tpu.dot_dimension_numbers<[1], [1], [0], [0], [0, 0, 1, 0], [], []>, transpose_lhs_hint = false} : vector<512x64xf32>, vector<512x64xf32>, vector<512x512xf32> -> vector<512x512xf32>
    %dot_general3A_19 = arith.constant dense<0.000000e+00> : vector<512x512xf32>
    %dot_general3A_20 = tpu.matmul %get3A_4, %get3A_1, %dot_general3A_19 {dimension_numbers = #tpu.dot_dimension_numbers<[1], [1], [0], [0], [0, 0, 1, 0], [], []>, transpose_lhs_hint = false} : vector<512x64xf32>, vector<512x64xf32>, vector<512x512xf32> -> vector<512x512xf32>
    %add3A = vector.broadcast %broadcast_in_dim3A_7 : vector<512x1xf32> to vector<512x512xf32>
    %add3A_21 = vector.broadcast %dot_general3A_16 : vector<1x512xf32> to vector<512x512xf32>
    %add3A_22 = arith.addf %add3A, %add3A_21 : vector<512x512xf32>
    %mul3A_23 = arith.constant 2.000000e+00 : f32
    %mul3A_24 = vector.broadcast %mul3A_23 : f32 to vector<512x512xf32>
    %mul3A_25 = arith.mulf %mul3A_24, %dot_general3A_18 : vector<512x512xf32>
    %sub3A = arith.subf %add3A_22, %mul3A_25 : vector<512x512xf32>
    %add3A_26 = vector.broadcast %broadcast_in_dim3A_11 : vector<512x1xf32> to vector<512x512xf32>
    %add3A_27 = vector.broadcast %dot_general3A_13 : vector<1x512xf32> to vector<512x512xf32>
    %add3A_28 = arith.addf %add3A_26, %add3A_27 : vector<512x512xf32>
    %mul3A_29 = arith.constant 2.000000e+00 : f32
    %mul3A_30 = vector.broadcast %mul3A_29 : f32 to vector<512x512xf32>
    %mul3A_31 = arith.mulf %mul3A_30, %dot_general3A_20 : vector<512x512xf32>
    %sub3A_32 = arith.subf %add3A_28, %mul3A_31 : vector<512x512xf32>
    %reduce_min3A = arith.constant dense<0x7F800000> : vector<512xf32>
    %reduce_min3A_33 = vector.multi_reduction <minimumf>, %sub3A, %reduce_min3A [1] : vector<512x512xf32> to vector<512xf32>
    %broadcast_in_dim3A_34 = vector.shape_cast %reduce_min3A_33 : vector<512xf32> to vector<512x1xf32>
    %iota3A = tpu.iota {dimensions = array<i32: 1>} : vector<512x512xi32>
    %eq3A = vector.broadcast %broadcast_in_dim3A_34 : vector<512x1xf32> to vector<512x512xf32>
    %eq3A_35 = arith.cmpf oeq, %sub3A, %eq3A : vector<512x512xf32>
    %jit3A = arith.constant 512 : i32
    %broadcast_in_dim3A_36 = vector.broadcast %jit3A : i32 to vector<512x512xi32>
    %select_n3A = arith.select %eq3A_35, %iota3A, %broadcast_in_dim3A_36 : vector<512x512xi1>, vector<512x512xi32>
    %reduce_min3A_37 = arith.constant dense<2147483647> : vector<512xi32>
    %reduce_min3A_38 = vector.multi_reduction <minsi>, %select_n3A, %reduce_min3A_37 [1] : vector<512x512xi32> to vector<512xi32>
    %broadcast_in_dim3A_39 = vector.shape_cast %reduce_min3A_38 : vector<512xi32> to vector<512x1xi32>
    %swap3A = arith.constant 0 : index
    %swap3A_40 = arith.constant 0 : index
    %swap3A_41 = vector.load %arg8[%swap3A, %swap3A_40] : memref<512x1xi32, #tpu.memory_space<vmem>>, vector<512x1xi32>
    tpu.vector_store %arg8[%swap3A, %swap3A_40], %broadcast_in_dim3A_39 {strides = array<i32>} : memref<512x1xi32, #tpu.memory_space<vmem>>, vector<512x1xi32>,
    %eq3A_42 = vector.broadcast %broadcast_in_dim3A_39 : vector<512x1xi32> to vector<512x512xi32>
    %eq3A_43 = arith.cmpi eq, %iota3A, %eq3A_42 : vector<512x512xi32>
    %convert_element_type3A = arith.extui %eq3A_43 : vector<512x512xi1> to vector<512x512xi32>
    %convert_element_type3A_44 = arith.sitofp %convert_element_type3A : vector<512x512xi32> to vector<512x512xf32>
    %reduce_sum3A_45 = arith.constant dense<0.000000e+00> : vector<512xf32>
    %reduce_sum3A_46 = vector.multi_reduction <add>, %convert_element_type3A_44, %reduce_sum3A_45 [0] : vector<512x512xf32> to vector<512xf32>
    %broadcast_in_dim3A_47 = vector.shape_cast %reduce_sum3A_46 : vector<512xf32> to vector<1x512xf32>
    %mul3A_48 = arith.constant 0.001953125 : f32
    %mul3A_49 = vector.broadcast %mul3A_48 : f32 to vector<1x512xf32>
    %mul3A_50 = arith.mulf %broadcast_in_dim3A_47, %mul3A_49 : vector<1x512xf32>
    %get3A_51 = arith.constant 0 : index
    %get3A_52 = arith.constant 0 : index
    %get3A_53 = vector.load %arg2[%get3A_51, %get3A_52] : memref<1x512xf32, #tpu.memory_space<vmem>>, vector<1x512xf32>
    %add3A_54 = arith.constant 1.000000e-10 : f32
    %add3A_55 = vector.broadcast %add3A_54 : f32 to vector<1x512xf32>
    %add3A_56 = arith.addf %mul3A_50, %add3A_55 : vector<1x512xf32>
    %log3A = math.log %add3A_56 : vector<1x512xf32>
    %add3A_57 = arith.constant 1.000000e-10 : f32
    %add3A_58 = vector.broadcast %add3A_57 : f32 to vector<1x512xf32>
    %add3A_59 = arith.addf %get3A_53, %add3A_58 : vector<1x512xf32>
    %log3A_60 = math.log %add3A_59 : vector<1x512xf32>
    %sub3A_61 = arith.subf %log3A, %log3A_60 : vector<1x512xf32>
    %mul3A_62 = arith.mulf %mul3A_50, %sub3A_61 : vector<1x512xf32>
    %reduce_sum3A_63 = vector.shape_cast %mul3A_62 : vector<1x512xf32> to vector<1x1x512xf32>
    %reduce_sum3A_64 = arith.constant dense<0.000000e+00> : vector<1xf32>
    %reduce_sum3A_65 = vector.multi_reduction <add>, %reduce_sum3A_63, %reduce_sum3A_64 [1, 2] : vector<1x1x512xf32> to vector<1xf32>
    %reduce_sum3A_66 = vector.shape_cast %reduce_sum3A_65 : vector<1xf32> to vector<1x1x1xf32>
    %reduce_sum3A_67 = vector.extract %reduce_sum3A_66[0, 0, 0] : f32 from vector<1x1x1xf32>
    %reduce_sum3A_68 = vector.shape_cast %broadcast_in_dim3A_34 : vector<512x1xf32> to vector<1x512x1xf32>
    %reduce_sum3A_69 = arith.constant dense<0.000000e+00> : vector<1xf32>
    %reduce_sum3A_70 = vector.multi_reduction <add>, %reduce_sum3A_68, %reduce_sum3A_69 [1, 2] : vector<1x512x1xf32> to vector<1xf32>
    %reduce_sum3A_71 = vector.shape_cast %reduce_sum3A_70 : vector<1xf32> to vector<1x1x1xf32>
    %reduce_sum3A_72 = vector.extract %reduce_sum3A_71[0, 0, 0] : f32 from vector<1x1x1xf32>
    %mul3A_73 = arith.constant 3.05175781E-5 : f32
    %mul3A_74 = arith.mulf %reduce_sum3A_72, %mul3A_73 : f32
    %broadcast_in_dim3A_75 = arith.constant 0.000000e+00 : f32
    %broadcast_in_dim3A_76 = vector.broadcast %broadcast_in_dim3A_75 : f32 to vector<1x1xf32>
    %mul3A_77 = arith.constant 1.250000e+00 : f32
    %mul3A_78 = arith.mulf %mul3A_77, %mul3A_74 : f32
    %mul3A_79 = arith.constant 1.000000e+00 : f32
    %mul3A_80 = arith.mulf %mul3A_79, %reduce_sum3A_67 : f32
    %add3A_81 = arith.addf %mul3A_78, %mul3A_80 : f32
    %add3A_82 = vector.broadcast %add3A_81 : f32 to vector<1x1xf32>
    %add3A_83 = arith.addf %broadcast_in_dim3A_76, %add3A_82 : vector<1x1xf32>
    %swap3A_84 = arith.constant 0 : index
    %swap3A_85 = arith.constant 0 : index
    %swap3A_86 = vector.load %arg9[%swap3A_84, %swap3A_85] : memref<1x1xf32, #tpu.memory_space<vmem>>, vector<1x1xf32>
    tpu.vector_store %arg9[%swap3A_84, %swap3A_85], %add3A_83 {strides = array<i32>} : memref<1x1xf32, #tpu.memory_space<vmem>>, vector<1x1xf32>,
    %reduce_max3A = arith.constant dense<0xFF800000> : vector<512xf32>
    %reduce_max3A_87 = vector.multi_reduction <maximumf>, %sub3A, %reduce_max3A [1] : vector<512x512xf32> to vector<512xf32>
    %broadcast_in_dim3A_88 = vector.shape_cast %reduce_max3A_87 : vector<512xf32> to vector<512x1xf32>
    %sub3A_89 = vector.broadcast %broadcast_in_dim3A_88 : vector<512x1xf32> to vector<512x512xf32>
    %sub3A_90 = arith.subf %sub3A, %sub3A_89 : vector<512x512xf32>
    %exp3A = math.exp %sub3A_90 : vector<512x512xf32>
    %reduce_sum3A_91 = arith.constant dense<0.000000e+00> : vector<512xf32>
    %reduce_sum3A_92 = vector.multi_reduction <add>, %exp3A, %reduce_sum3A_91 [1] : vector<512x512xf32> to vector<512xf32>
    %broadcast_in_dim3A_93 = vector.shape_cast %reduce_sum3A_92 : vector<512xf32> to vector<512x1xf32>
    %log3A_94 = math.log %broadcast_in_dim3A_93 : vector<512x1xf32>
    %sub3A_95 = vector.broadcast %log3A_94 : vector<512x1xf32> to vector<512x512xf32>
    %sub3A_96 = arith.subf %sub3A_90, %sub3A_95 : vector<512x512xf32>
    %reduce_max3A_97 = arith.constant dense<0xFF800000> : vector<512xf32>
    %reduce_max3A_98 = vector.multi_reduction <maximumf>, %sub3A_32, %reduce_max3A_97 [0] : vector<512x512xf32> to vector<512xf32>
    %broadcast_in_dim3A_99 = vector.shape_cast %reduce_max3A_98 : vector<512xf32> to vector<1x512xf32>
    %sub3A_100 = vector.broadcast %broadcast_in_dim3A_99 : vector<1x512xf32> to vector<512x512xf32>
    %sub3A_101 = arith.subf %sub3A_32, %sub3A_100 : vector<512x512xf32>
    %exp3A_102 = math.exp %sub3A_101 : vector<512x512xf32>
    %reduce_sum3A_103 = arith.constant dense<0.000000e+00> : vector<512xf32>
    %reduce_sum3A_104 = vector.multi_reduction <add>, %exp3A_102, %reduce_sum3A_103 [0] : vector<512x512xf32> to vector<512xf32>
    %broadcast_in_dim3A_105 = vector.shape_cast %reduce_sum3A_104 : vector<512xf32> to vector<1x512xf32>
    %log3A_106 = math.log %broadcast_in_dim3A_105 : vector<1x512xf32>
    %sub3A_107 = vector.broadcast %log3A_106 : vector<1x512xf32> to vector<512x512xf32>
    %sub3A_108 = arith.subf %sub3A_101, %sub3A_107 : vector<512x512xf32>
    %iota3A_109 = tpu.iota {dimensions = array<i32: 1>} : vector<1x512xi32>
    %jit3A_110 = arith.constant 256 : i32
    %eq3A_111 = arith.constant 0 : i32
    %eq3A_112 = arith.cmpi eq, %jit3A_110, %eq3A_111 : i32
    %jit3A_113 = arith.constant 1 : i32
    %select_n3A_114 = arith.select %eq3A_112, %jit3A_113, %jit3A_110 : i32
    %rem3A = vector.broadcast %select_n3A_114 : i32 to vector<1x512xi32>
    %rem3A_115 = arith.remsi %iota3A_109, %rem3A : vector<1x512xi32>
    %ne3A = arith.constant 0 : i32
    %ne3A_116 = vector.broadcast %ne3A : i32 to vector<1x512xi32>
    %ne3A_117 = arith.cmpi ne, %rem3A_115, %ne3A_116 : vector<1x512xi32>
    %lt3A = arith.constant 0 : i32
    %lt3A_118 = vector.broadcast %lt3A : i32 to vector<1x512xi32>
    %lt3A_119 = arith.cmpi slt, %rem3A_115, %lt3A_118 : vector<1x512xi32>
    %lt3A_120 = arith.constant 0 : i32
    %lt3A_121 = arith.cmpi slt, %select_n3A_114, %lt3A_120 : i32
    %ne3A_122 = vector.broadcast %lt3A_121 : i1 to vector<1x512xi1>
    %ne3A_123 = vector.broadcast %ne3A_122 : vector<1x512xi1> to vector<1x512xi1>
    %ne3A_124 = arith.xori %lt3A_119, %ne3A_123 : vector<1x512xi1>
    %and3A = arith.andi %ne3A_124, %ne3A_117 : vector<1x512xi1>
    %add3A_125 = vector.broadcast %select_n3A_114 : i32 to vector<1x512xi32>
    %add3A_126 = arith.addi %rem3A_115, %add3A_125 : vector<1x512xi32>
    %select_n3A_127 = arith.select %and3A, %add3A_126, %rem3A_115 : vector<1x512xi1>, vector<1x512xi32>
    %lt3A_128 = arith.constant 254 : i32
    %lt3A_129 = vector.broadcast %lt3A_128 : i32 to vector<1x512xi32>
    %lt3A_130 = arith.cmpi slt, %select_n3A_127, %lt3A_129 : vector<1x512xi32>
    %jit3A_131 = arith.constant 0.000000e+00 : f32
    %broadcast_in_dim3A_132 = vector.shape_cast %lt3A_130 : vector<1x512xi1> to vector<1x512xi1>
    %broadcast_in_dim3A_133 = vector.broadcast %broadcast_in_dim3A_132 : vector<1x512xi1> to vector<512x512xi1>
    %broadcast_in_dim3A_134 = vector.broadcast %jit3A_131 : f32 to vector<512x512xf32>
    %select_n3A_135 = arith.select %broadcast_in_dim3A_133, %sub3A_108, %broadcast_in_dim3A_134 : vector<512x512xi1>, vector<512x512xf32>
    %slice3A = vector.extract_strided_slice %sub3A_108 {offsets = [0, 1], sizes = [512, 511], strides = [1, 1]} : vector<512x512xf32> to vector<512x511xf32>
    %slice3A_136 = vector.extract_strided_slice %sub3A_108 {offsets = [0, 0], sizes = [512, 1], strides = [1, 1]} : vector<512x512xf32> to vector<512x1xf32>
    %concatenate3A = tpu.concatenate %slice3A, %slice3A_136 in 1 : vector<512x511xf32>, vector<512x1xf32> -> vector<512x512xf32>
    %slice3A_137 = vector.extract_strided_slice %sub3A_96 {offsets = [2, 0], sizes = [510, 512], strides = [1, 1]} : vector<512x512xf32> to vector<510x512xf32>
    %slice3A_138 = vector.extract_strided_slice %sub3A_96 {offsets = [0, 0], sizes = [2, 512], strides = [1, 1]} : vector<512x512xf32> to vector<2x512xf32>
    %concatenate3A_139 = tpu.concatenate %slice3A_137, %slice3A_138 in 0 : vector<510x512xf32>, vector<2x512xf32> -> vector<512x512xf32>
    %lt3A_140 = arith.constant 255 : i32
    %lt3A_141 = vector.broadcast %lt3A_140 : i32 to vector<1x512xi32>
    %lt3A_142 = arith.cmpi slt, %select_n3A_127, %lt3A_141 : vector<1x512xi32>
    %jit3A_143 = arith.constant 0.000000e+00 : f32
    %broadcast_in_dim3A_144 = vector.shape_cast %lt3A_142 : vector<1x512xi1> to vector<1x512xi1>
    %broadcast_in_dim3A_145 = vector.broadcast %broadcast_in_dim3A_144 : vector<1x512xi1> to vector<512x512xi1>
    %broadcast_in_dim3A_146 = vector.broadcast %jit3A_143 : f32 to vector<512x512xf32>
    %select_n3A_147 = arith.select %broadcast_in_dim3A_145, %sub3A_108, %broadcast_in_dim3A_146 : vector<512x512xi1>, vector<512x512xf32>
    %dot_general3A_148 = arith.constant dense<0.000000e+00> : vector<512x512xf32>
    %dot_general3A_149 = tpu.matmul %select_n3A_147, %concatenate3A, %dot_general3A_148 {dimension_numbers = #tpu.dot_dimension_numbers<[1], [1], [0], [0], [0, 0, 1, 0], [], []>, transpose_lhs_hint = false} : vector<512x512xf32>, vector<512x512xf32>, vector<512x512xf32> -> vector<512x512xf32>
    %reduce_sum3A_150 = vector.shape_cast %dot_general3A_149 : vector<512x512xf32> to vector<1x512x512xf32>
    %reduce_sum3A_151 = arith.constant dense<0.000000e+00> : vector<1xf32>
    %reduce_sum3A_152 = vector.multi_reduction <add>, %reduce_sum3A_150, %reduce_sum3A_151 [1, 2] : vector<1x512x512xf32> to vector<1xf32>
    %reduce_sum3A_153 = vector.shape_cast %reduce_sum3A_152 : vector<1xf32> to vector<1x1x1xf32>
    %reduce_sum3A_154 = vector.extract %reduce_sum3A_153[0, 0, 0] : f32 from vector<1x1x1xf32>
    %add3A_155 = arith.constant 9.99999993E-9 : f32
    %add3A_156 = arith.addf %reduce_sum3A_154, %add3A_155 : f32
    %div3A = arith.constant 1.000000e+00 : f32
    %div3A_157 = arith.divf %div3A, %add3A_156 : f32
    %mul3A_158 = vector.broadcast %div3A_157 : f32 to vector<512x512xf32>
    %mul3A_159 = arith.mulf %dot_general3A_149, %mul3A_158 : vector<512x512xf32>
    %broadcast_in_dim3A_160 = arith.constant 1.000000e+00 : f32
    %broadcast_in_dim3A_161 = vector.broadcast %broadcast_in_dim3A_160 : f32 to vector<1x512xf32>
    %dot_general3A_162 = arith.constant dense<0.000000e+00> : vector<1x512xf32>
    %dot_general3A_163 = tpu.matmul %broadcast_in_dim3A_161, %concatenate3A_139, %dot_general3A_162 {dimension_numbers = #tpu.dot_dimension_numbers<[1], [1], [0], [0], [0, 0, 1, 0], [], []>, transpose_lhs_hint = false} : vector<1x512xf32>, vector<512x512xf32>, vector<1x512xf32> -> vector<1x512xf32>
    %mul3A_164 = vector.broadcast %dot_general3A_163 : vector<1x512xf32> to vector<512x512xf32>
    %mul3A_165 = arith.mulf %select_n3A_135, %mul3A_164 : vector<512x512xf32>
    %dot_general3A_166 = arith.constant dense<0.000000e+00> : vector<512x512xf32>
    %dot_general3A_167 = tpu.matmul %mul3A_165, %concatenate3A, %dot_general3A_166 {dimension_numbers = #tpu.dot_dimension_numbers<[1], [1], [0], [0], [0, 0, 1, 0], [], []>, transpose_lhs_hint = false} : vector<512x512xf32>, vector<512x512xf32>, vector<512x512xf32> -> vector<512x512xf32>
    %add3A_168 = arith.constant 5.120000e-01 : f32
    %add3A_169 = vector.broadcast %add3A_168 : f32 to vector<512x512xf32>
    %add3A_170 = arith.addf %dot_general3A_167, %add3A_169 : vector<512x512xf32>
    %mul3A_171 = arith.constant 0.693147182 : f32
    %mul3A_172 = vector.broadcast %mul3A_171 : f32 to vector<512x512xf32>
    %mul3A_173 = arith.mulf %mul3A_172, %mul3A_159 : vector<512x512xf32>
    %div3A_174 = arith.divf %mul3A_173, %add3A_170 : vector<512x512xf32>
    %swap3A_175 = arith.constant 0 : index
    %swap3A_176 = arith.constant 0 : index
    %swap3A_177 = vector.load %arg7[%swap3A_175, %swap3A_176] : memref<512x512xf32, #tpu.memory_space<vmem>>, vector<512x512xf32>
    tpu.vector_store %arg7[%swap3A_175, %swap3A_176], %div3A_174 {strides = array<i32>} : memref<512x512xf32, #tpu.memory_space<vmem>>, vector<512x512xf32>,
    %neg3A = arith.constant 0.000000e+00 : f32
    %neg3A_178 = vector.broadcast %neg3A : f32 to vector<512x512xf32>
    %neg3A_179 = arith.subf %neg3A_178, %select_n3A_135 : vector<512x512xf32>
    %convert_element_type3A_180 = arith.truncf %neg3A_179 : vector<512x512xf32> to vector<512x512xbf16>
    %swap3A_181 = arith.constant 0 : index
    %swap3A_182 = arith.constant 0 : index
    %swap3A_183 = vector.load %arg3[%swap3A_181, %swap3A_182] : memref<512x512xbf16, #tpu.memory_space<vmem>>, vector<512x512xbf16>
    tpu.vector_store %arg3[%swap3A_181, %swap3A_182], %convert_element_type3A_180 {strides = array<i32>} : memref<512x512xbf16, #tpu.memory_space<vmem>>, vector<512x512xbf16>,
    %convert_element_type3A_184 = arith.truncf %concatenate3A : vector<512x512xf32> to vector<512x512xbf16>
    %swap3A_185 = arith.constant 0 : index
    %swap3A_186 = arith.constant 0 : index
    %swap3A_187 = vector.load %arg4[%swap3A_185, %swap3A_186] : memref<512x512xbf16, #tpu.memory_space<vmem>>, vector<512x512xbf16>
    tpu.vector_store %arg4[%swap3A_185, %swap3A_186], %convert_element_type3A_184 {strides = array<i32>} : memref<512x512xbf16, #tpu.memory_space<vmem>>, vector<512x512xbf16>,
    %mul3A_188 = vector.broadcast %dot_general3A_163 : vector<1x512xf32> to vector<512x512xf32>
    %mul3A_189 = arith.mulf %concatenate3A, %mul3A_188 : vector<512x512xf32>
    %convert_element_type3A_190 = arith.truncf %mul3A_189 : vector<512x512xf32> to vector<512x512xbf16>
    %swap3A_191 = arith.constant 0 : index
    %swap3A_192 = arith.constant 0 : index
    %swap3A_193 = vector.load %arg5[%swap3A_191, %swap3A_192] : memref<512x512xbf16, #tpu.memory_space<vmem>>, vector<512x512xbf16>
    tpu.vector_store %arg5[%swap3A_191, %swap3A_192], %convert_element_type3A_190 {strides = array<i32>} : memref<512x512xbf16, #tpu.memory_space<vmem>>, vector<512x512xbf16>,
    %convert_element_type3A_194 = arith.truncf %concatenate3A_139 : vector<512x512xf32> to vector<512x512xbf16>
    %swap3A_195 = arith.constant 0 : index
    %swap3A_196 = arith.constant 0 : index
    %swap3A_197 = vector.load %arg6[%swap3A_195, %swap3A_196] : memref<512x512xbf16, #tpu.memory_space<vmem>>, vector<512x512xbf16>
    tpu.vector_store %arg6[%swap3A_195, %swap3A_196], %convert_element_type3A_194 {strides = array<i32>} : memref<512x512xbf16, #tpu.memory_space<vmem>>, vector<512x512xbf16>,
    return
  }
}

module attributes {stable_mosaic.version = 14 : i64} {
  func.func @_h2_body(%arg0: i32, %arg1: memref<32x512xbf16, #tpu.memory_space<vmem>>, %arg2: memref<32x512xf32, #tpu.memory_space<vmem>>, %arg3: memref<512x512xbf16, #tpu.memory_space<vmem>>, %arg4: memref<512x512xbf16, #tpu.memory_space<vmem>>, %arg5: memref<512x512xbf16, #tpu.memory_space<vmem>>, %arg6: memref<1x1xf32, #tpu.memory_space<vmem>>, %arg7: memref<1x1xf32, #tpu.memory_space<vmem>>, %arg8: memref<1x512xf32, #tpu.memory_space<vmem>>, %arg9: memref<1x1xf32, #tpu.memory_space<vmem>>) attributes {dimension_semantics = [#tpu.dimension_semantics<arbitrary>], iteration_bounds = array<i64: 16>, scalar_prefetch = 0 : i64, scratch_operands = 2 : i64, tpu.core_type = #tpu.core_type<tc>, window_params = [{transform_indices = @transform_0, window_bounds = array<i64: 32, 512>}, {transform_indices = @transform_1, window_bounds = array<i64: 32, 512>}, {pipeline_mode = #tpu.pipeline_mode<synchronous>, transform_indices = @transform_2, window_bounds = array<i64: 512, 512>}, {pipeline_mode = #tpu.pipeline_mode<synchronous>, transform_indices = @transform_3, window_bounds = array<i64: 512, 512>}, {pipeline_mode = #tpu.pipeline_mode<synchronous>, transform_indices = @transform_4, window_bounds = array<i64: 512, 512>}, {pipeline_mode = #tpu.pipeline_mode<synchronous>, transform_indices = @transform_5, window_bounds = array<i64: 1, 1>}, {pipeline_mode = #tpu.pipeline_mode<synchronous>, transform_indices = @transform_6, window_bounds = array<i64: 1, 1>}]} {
    %eq3A = arith.constant 0 : i32
    %eq3A_0 = arith.cmpi eq, %arg0, %eq3A : i32
    %convert_element_type3A = arith.extui %eq3A_0 : i1 to i32
    %cond3A = arith.constant 0 : i32
    %cond3A_1 = arith.cmpi ne, %convert_element_type3A, %cond3A : i32
    scf.if %cond3A_1 {
      %broadcast_in_dim3A_1090 = arith.constant 0.000000e+00 : f32
      %broadcast_in_dim3A_1091 = vector.broadcast %broadcast_in_dim3A_1090 : f32 to vector<1x512xf32>
      %swap3A_1092 = arith.constant 0 : index
      %swap3A_1093 = arith.constant 0 : index
      %swap3A_1094 = vector.load %arg8[%swap3A_1092, %swap3A_1093] : memref<1x512xf32, #tpu.memory_space<vmem>>, vector<1x512xf32>
      tpu.vector_store %arg8[%swap3A_1092, %swap3A_1093], %broadcast_in_dim3A_1091 {strides = array<i32>} : memref<1x512xf32, #tpu.memory_space<vmem>>, vector<1x512xf32>,
      %broadcast_in_dim3A_1095 = arith.constant 0.000000e+00 : f32
      %broadcast_in_dim3A_1096 = vector.broadcast %broadcast_in_dim3A_1095 : f32 to vector<1x1xf32>
      %swap3A_1097 = arith.constant 0 : index
      %swap3A_1098 = arith.constant 0 : index
      %swap3A_1099 = vector.load %arg9[%swap3A_1097, %swap3A_1098] : memref<1x1xf32, #tpu.memory_space<vmem>>, vector<1x1xf32>
      tpu.vector_store %arg9[%swap3A_1097, %swap3A_1098], %broadcast_in_dim3A_1096 {strides = array<i32>} : memref<1x1xf32, #tpu.memory_space<vmem>>, vector<1x1xf32>,
    } else {
    }
    %get3A = arith.constant 0 : index
    %get3A_2 = arith.constant 0 : index
    %get3A_3 = vector.load %arg3[%get3A, %get3A_2] : memref<512x512xbf16, #tpu.memory_space<vmem>>, vector<512x512xbf16>
    %get3A_4 = arith.constant 0 : index
    %get3A_5 = arith.constant 0 : index
    %get3A_6 = vector.load %arg5[%get3A_4, %get3A_5] : memref<512x512xbf16, #tpu.memory_space<vmem>>, vector<512x512xbf16>
    %get3A_7 = arith.constant 0 : index
    %get3A_8 = arith.constant 0 : index
    %get3A_9 = vector.load %arg1[%get3A_7, %get3A_8] : memref<32x512xbf16, #tpu.memory_space<vmem>>, vector<32x512xbf16>
    %get3A_10 = arith.constant 0 : index
    %get3A_11 = arith.constant 0 : index
    %get3A_12 = vector.load %arg4[%get3A_10, %get3A_11] : memref<512x512xbf16, #tpu.memory_space<vmem>>, vector<512x512xbf16>
    %dot_general3A = arith.constant dense<0.000000e+00> : vector<32x512xf32>
    %dot_general3A_13 = tpu.matmul %get3A_9, %get3A_12, %dot_general3A {dimension_numbers = #tpu.dot_dimension_numbers<[1], [1], [0], [0], [0, 0, 1, 0], [], []>, transpose_lhs_hint = false} : vector<32x512xbf16>, vector<512x512xbf16>, vector<32x512xf32> -> vector<32x512xf32>
    %sub3A = arith.constant 5.120000e-01 : f32
    %sub3A_14 = vector.broadcast %sub3A : f32 to vector<32x512xf32>
    %sub3A_15 = arith.subf %dot_general3A_13, %sub3A_14 : vector<32x512xf32>
    %log3A = math.log %sub3A_15 : vector<32x512xf32>
    %log3A_16 = arith.constant 2.000000e+00 : f32
    %log3A_17 = math.log %log3A_16 : f32
    %div3A = vector.broadcast %log3A_17 : f32 to vector<32x512xf32>
    %div3A_18 = arith.divf %log3A, %div3A : vector<32x512xf32>
    %neg3A = arith.constant 0.000000e+00 : f32
    %neg3A_19 = vector.broadcast %neg3A : f32 to vector<32x512xf32>
    %neg3A_20 = arith.subf %neg3A_19, %div3A_18 : vector<32x512xf32>
    %mul3A = arith.mulf %neg3A_20, %dot_general3A_13 : vector<32x512xf32>
    %get3A_21 = arith.constant 0 : index
    %get3A_22 = arith.constant 0 : index
    %get3A_23 = vector.load %arg9[%get3A_21, %get3A_22] : memref<1x1xf32, #tpu.memory_space<vmem>>, vector<1x1xf32>
    %get3A_24 = arith.constant 0 : index
    %get3A_25 = arith.constant 0 : index
    %get3A_26 = vector.load %arg2[%get3A_24, %get3A_25] : memref<32x512xf32, #tpu.memory_space<vmem>>, vector<32x512xf32>
    %mul3A_27 = arith.mulf %get3A_26, %mul3A : vector<32x512xf32>
    %reduce_sum3A = vector.shape_cast %mul3A_27 : vector<32x512xf32> to vector<1x32x512xf32>
    %reduce_sum3A_28 = arith.constant dense<0.000000e+00> : vector<1xf32>
    %reduce_sum3A_29 = vector.multi_reduction <add>, %reduce_sum3A, %reduce_sum3A_28 [1, 2] : vector<1x32x512xf32> to vector<1xf32>
    %reduce_sum3A_30 = vector.shape_cast %reduce_sum3A_29 : vector<1xf32> to vector<1x1x1xf32>
    %reduce_sum3A_31 = vector.extract %reduce_sum3A_30[0, 0, 0] : f32 from vector<1x1x1xf32>
    %reshape3A = vector.broadcast %reduce_sum3A_31 : f32 to vector<1x1xf32>
    %add3A = arith.addf %get3A_23, %reshape3A : vector<1x1xf32>
    %swap3A = arith.constant 0 : index
    %swap3A_32 = arith.constant 0 : index
    %swap3A_33 = vector.load %arg9[%swap3A, %swap3A_32] : memref<1x1xf32, #tpu.memory_space<vmem>>, vector<1x1xf32>
    tpu.vector_store %arg9[%swap3A, %swap3A_32], %add3A {strides = array<i32>} : memref<1x1xf32, #tpu.memory_space<vmem>>, vector<1x1xf32>,
    %slice3A = vector.extract_strided_slice %get3A_9 {offsets = [0, 0], sizes = [1, 512], strides = [1, 1]} : vector<32x512xbf16> to vector<1x512xbf16>
    %mul3A_34 = vector.broadcast %slice3A : vector<1x512xbf16> to vector<512x512xbf16>
    %mul3A_35 = arith.mulf %get3A_3, %mul3A_34 : vector<512x512xbf16>
    %dot_general3A_36 = arith.constant dense<0.000000e+00> : vector<512x512xf32>
    %dot_general3A_37 = tpu.matmul %mul3A_35, %get3A_6, %dot_general3A_36 {dimension_numbers = #tpu.dot_dimension_numbers<[1], [0], [0], [1], [0, 0, 1, 1], [], []>, transpose_lhs_hint = false} : vector<512x512xbf16>, vector<512x512xbf16>, vector<512x512xf32> -> vector<512x512xf32>
    %log3A_38 = math.log %dot_general3A_37 : vector<512x512xf32>
    %log3A_39 = arith.constant 2.000000e+00 : f32
    %log3A_40 = math.log %log3A_39 : f32
    %div3A_41 = vector.broadcast %log3A_40 : f32 to vector<512x512xf32>
    %div3A_42 = arith.divf %log3A_38, %div3A_41 : vector<512x512xf32>
    %mul3A_43 = arith.mulf %dot_general3A_37, %div3A_42 : vector<512x512xf32>
    %iota3A = tpu.iota {dimensions = array<i32: 0>} : vector<8x512xi32>
    %eq3A_44 = arith.constant 0 : i32
    %eq3A_45 = vector.broadcast %eq3A_44 : i32 to vector<8x512xi32>
    %eq3A_46 = arith.cmpi eq, %iota3A, %eq3A_45 : vector<8x512xi32>
    %get3A_47 = arith.constant 0 : index
    %get3A_48 = arith.constant 0 : index
    %get3A_49 = vector.load %arg2[%get3A_47, %get3A_48] : memref<32x512xf32, #tpu.memory_space<vmem>>, vector<1x512xf32>
    %jit3A = arith.constant 0.000000e+00 : f32
    %broadcast_in_dim3A = vector.shape_cast %get3A_49 : vector<1x512xf32> to vector<1x512xf32>
    %broadcast_in_dim3A_50 = vector.broadcast %broadcast_in_dim3A : vector<1x512xf32> to vector<8x512xf32>
    %broadcast_in_dim3A_51 = vector.broadcast %jit3A : f32 to vector<8x512xf32>
    %select_n3A = arith.select %eq3A_46, %broadcast_in_dim3A_50, %broadcast_in_dim3A_51 : vector<8x512xi1>, vector<8x512xf32>
    %get3A_52 = arith.constant 0 : index
    %get3A_53 = arith.constant 0 : index
    %get3A_54 = vector.load %arg8[%get3A_52, %get3A_53] : memref<1x512xf32, #tpu.memory_space<vmem>>, vector<1x512xf32>
    %dot_general3A_55 = arith.constant dense<0.000000e+00> : vector<8x512xf32>
    %dot_general3A_56 = tpu.matmul %select_n3A, %mul3A_43, %dot_general3A_55 {dimension_numbers = #tpu.dot_dimension_numbers<[1], [0], [0], [1], [0, 0, 1, 1], [], []>, transpose_lhs_hint = false} : vector<8x512xf32>, vector<512x512xf32>, vector<8x512xf32> -> vector<8x512xf32>
    %slice3A_57 = vector.extract_strided_slice %dot_general3A_56 {offsets = [0, 0], sizes = [1, 512], strides = [1, 1]} : vector<8x512xf32> to vector<1x512xf32>
    %add3A_58 = arith.addf %get3A_54, %slice3A_57 : vector<1x512xf32>
    %swap3A_59 = arith.constant 0 : index
    %swap3A_60 = arith.constant 0 : index
    %swap3A_61 = vector.load %arg8[%swap3A_59, %swap3A_60] : memref<1x512xf32, #tpu.memory_space<vmem>>, vector<1x512xf32>
    tpu.vector_store %arg8[%swap3A_59, %swap3A_60], %add3A_58 {strides = array<i32>} : memref<1x512xf32, #tpu.memory_space<vmem>>, vector<1x512xf32>,
    %slice3A_62 = vector.extract_strided_slice %get3A_9 {offsets = [1, 0], sizes = [1, 512], strides = [1, 1]} : vector<32x512xbf16> to vector<1x512xbf16>
    %mul3A_63 = vector.broadcast %slice3A_62 : vector<1x512xbf16> to vector<512x512xbf16>
    %mul3A_64 = arith.mulf %get3A_3, %mul3A_63 : vector<512x512xbf16>
    %dot_general3A_65 = arith.constant dense<0.000000e+00> : vector<512x512xf32>
    %dot_general3A_66 = tpu.matmul %mul3A_64, %get3A_6, %dot_general3A_65 {dimension_numbers = #tpu.dot_dimension_numbers<[1], [0], [0], [1], [0, 0, 1, 1], [], []>, transpose_lhs_hint = false} : vector<512x512xbf16>, vector<512x512xbf16>, vector<512x512xf32> -> vector<512x512xf32>
    %log3A_67 = math.log %dot_general3A_66 : vector<512x512xf32>
    %log3A_68 = arith.constant 2.000000e+00 : f32
    %log3A_69 = math.log %log3A_68 : f32
    %div3A_70 = vector.broadcast %log3A_69 : f32 to vector<512x512xf32>
    %div3A_71 = arith.divf %log3A_67, %div3A_70 : vector<512x512xf32>
    %mul3A_72 = arith.mulf %dot_general3A_66, %div3A_71 : vector<512x512xf32>
    %iota3A_73 = tpu.iota {dimensions = array<i32: 0>} : vector<8x512xi32>
    %eq3A_74 = arith.constant 0 : i32
    %eq3A_75 = vector.broadcast %eq3A_74 : i32 to vector<8x512xi32>
    %eq3A_76 = arith.cmpi eq, %iota3A_73, %eq3A_75 : vector<8x512xi32>
    %get3A_77 = arith.constant 1 : index
    %get3A_78 = arith.constant 0 : index
    %get3A_79 = vector.load %arg2[%get3A_77, %get3A_78] : memref<32x512xf32, #tpu.memory_space<vmem>>, vector<1x512xf32>
    %jit3A_80 = arith.constant 0.000000e+00 : f32
    %broadcast_in_dim3A_81 = vector.shape_cast %get3A_79 : vector<1x512xf32> to vector<1x512xf32>
    %broadcast_in_dim3A_82 = vector.broadcast %broadcast_in_dim3A_81 : vector<1x512xf32> to vector<8x512xf32>
    %broadcast_in_dim3A_83 = vector.broadcast %jit3A_80 : f32 to vector<8x512xf32>
    %select_n3A_84 = arith.select %eq3A_76, %broadcast_in_dim3A_82, %broadcast_in_dim3A_83 : vector<8x512xi1>, vector<8x512xf32>
    %get3A_85 = arith.constant 0 : index
    %get3A_86 = arith.constant 0 : index
    %get3A_87 = vector.load %arg8[%get3A_85, %get3A_86] : memref<1x512xf32, #tpu.memory_space<vmem>>, vector<1x512xf32>
    %dot_general3A_88 = arith.constant dense<0.000000e+00> : vector<8x512xf32>
    %dot_general3A_89 = tpu.matmul %select_n3A_84, %mul3A_72, %dot_general3A_88 {dimension_numbers = #tpu.dot_dimension_numbers<[1], [0], [0], [1], [0, 0, 1, 1], [], []>, transpose_lhs_hint = false} : vector<8x512xf32>, vector<512x512xf32>, vector<8x512xf32> -> vector<8x512xf32>
    %slice3A_90 = vector.extract_strided_slice %dot_general3A_89 {offsets = [0, 0], sizes = [1, 512], strides = [1, 1]} : vector<8x512xf32> to vector<1x512xf32>
    %add3A_91 = arith.addf %get3A_87, %slice3A_90 : vector<1x512xf32>
    %swap3A_92 = arith.constant 0 : index
    %swap3A_93 = arith.constant 0 : index
    %swap3A_94 = vector.load %arg8[%swap3A_92, %swap3A_93] : memref<1x512xf32, #tpu.memory_space<vmem>>, vector<1x512xf32>
    tpu.vector_store %arg8[%swap3A_92, %swap3A_93], %add3A_91 {strides = array<i32>} : memref<1x512xf32, #tpu.memory_space<vmem>>, vector<1x512xf32>,
    %slice3A_95 = vector.extract_strided_slice %get3A_9 {offsets = [2, 0], sizes = [1, 512], strides = [1, 1]} : vector<32x512xbf16> to vector<1x512xbf16>
    %mul3A_96 = vector.broadcast %slice3A_95 : vector<1x512xbf16> to vector<512x512xbf16>
    %mul3A_97 = arith.mulf %get3A_3, %mul3A_96 : vector<512x512xbf16>
    %dot_general3A_98 = arith.constant dense<0.000000e+00> : vector<512x512xf32>
    %dot_general3A_99 = tpu.matmul %mul3A_97, %get3A_6, %dot_general3A_98 {dimension_numbers = #tpu.dot_dimension_numbers<[1], [0], [0], [1], [0, 0, 1, 1], [], []>, transpose_lhs_hint = false} : vector<512x512xbf16>, vector<512x512xbf16>, vector<512x512xf32> -> vector<512x512xf32>
    %log3A_100 = math.log %dot_general3A_99 : vector<512x512xf32>
    %log3A_101 = arith.constant 2.000000e+00 : f32
    %log3A_102 = math.log %log3A_101 : f32
    %div3A_103 = vector.broadcast %log3A_102 : f32 to vector<512x512xf32>
    %div3A_104 = arith.divf %log3A_100, %div3A_103 : vector<512x512xf32>
    %mul3A_105 = arith.mulf %dot_general3A_99, %div3A_104 : vector<512x512xf32>
    %iota3A_106 = tpu.iota {dimensions = array<i32: 0>} : vector<8x512xi32>
    %eq3A_107 = arith.constant 0 : i32
    %eq3A_108 = vector.broadcast %eq3A_107 : i32 to vector<8x512xi32>
    %eq3A_109 = arith.cmpi eq, %iota3A_106, %eq3A_108 : vector<8x512xi32>
    %get3A_110 = arith.constant 2 : index
    %get3A_111 = arith.constant 0 : index
    %get3A_112 = vector.load %arg2[%get3A_110, %get3A_111] : memref<32x512xf32, #tpu.memory_space<vmem>>, vector<1x512xf32>
    %jit3A_113 = arith.constant 0.000000e+00 : f32
    %broadcast_in_dim3A_114 = vector.shape_cast %get3A_112 : vector<1x512xf32> to vector<1x512xf32>
    %broadcast_in_dim3A_115 = vector.broadcast %broadcast_in_dim3A_114 : vector<1x512xf32> to vector<8x512xf32>
    %broadcast_in_dim3A_116 = vector.broadcast %jit3A_113 : f32 to vector<8x512xf32>
    %select_n3A_117 = arith.select %eq3A_109, %broadcast_in_dim3A_115, %broadcast_in_dim3A_116 : vector<8x512xi1>, vector<8x512xf32>
    %get3A_118 = arith.constant 0 : index
    %get3A_119 = arith.constant 0 : index
    %get3A_120 = vector.load %arg8[%get3A_118, %get3A_119] : memref<1x512xf32, #tpu.memory_space<vmem>>, vector<1x512xf32>
    %dot_general3A_121 = arith.constant dense<0.000000e+00> : vector<8x512xf32>
    %dot_general3A_122 = tpu.matmul %select_n3A_117, %mul3A_105, %dot_general3A_121 {dimension_numbers = #tpu.dot_dimension_numbers<[1], [0], [0], [1], [0, 0, 1, 1], [], []>, transpose_lhs_hint = false} : vector<8x512xf32>, vector<512x512xf32>, vector<8x512xf32> -> vector<8x512xf32>
    %slice3A_123 = vector.extract_strided_slice %dot_general3A_122 {offsets = [0, 0], sizes = [1, 512], strides = [1, 1]} : vector<8x512xf32> to vector<1x512xf32>
    %add3A_124 = arith.addf %get3A_120, %slice3A_123 : vector<1x512xf32>
    %swap3A_125 = arith.constant 0 : index
    %swap3A_126 = arith.constant 0 : index
    %swap3A_127 = vector.load %arg8[%swap3A_125, %swap3A_126] : memref<1x512xf32, #tpu.memory_space<vmem>>, vector<1x512xf32>
    tpu.vector_store %arg8[%swap3A_125, %swap3A_126], %add3A_124 {strides = array<i32>} : memref<1x512xf32, #tpu.memory_space<vmem>>, vector<1x512xf32>,
    %slice3A_128 = vector.extract_strided_slice %get3A_9 {offsets = [3, 0], sizes = [1, 512], strides = [1, 1]} : vector<32x512xbf16> to vector<1x512xbf16>
    %mul3A_129 = vector.broadcast %slice3A_128 : vector<1x512xbf16> to vector<512x512xbf16>
    %mul3A_130 = arith.mulf %get3A_3, %mul3A_129 : vector<512x512xbf16>
    %dot_general3A_131 = arith.constant dense<0.000000e+00> : vector<512x512xf32>
    %dot_general3A_132 = tpu.matmul %mul3A_130, %get3A_6, %dot_general3A_131 {dimension_numbers = #tpu.dot_dimension_numbers<[1], [0], [0], [1], [0, 0, 1, 1], [], []>, transpose_lhs_hint = false} : vector<512x512xbf16>, vector<512x512xbf16>, vector<512x512xf32> -> vector<512x512xf32>
    %log3A_133 = math.log %dot_general3A_132 : vector<512x512xf32>
    %log3A_134 = arith.constant 2.000000e+00 : f32
    %log3A_135 = math.log %log3A_134 : f32
    %div3A_136 = vector.broadcast %log3A_135 : f32 to vector<512x512xf32>
    %div3A_137 = arith.divf %log3A_133, %div3A_136 : vector<512x512xf32>
    %mul3A_138 = arith.mulf %dot_general3A_132, %div3A_137 : vector<512x512xf32>
    %iota3A_139 = tpu.iota {dimensions = array<i32: 0>} : vector<8x512xi32>
    %eq3A_140 = arith.constant 0 : i32
    %eq3A_141 = vector.broadcast %eq3A_140 : i32 to vector<8x512xi32>
    %eq3A_142 = arith.cmpi eq, %iota3A_139, %eq3A_141 : vector<8x512xi32>
    %get3A_143 = arith.constant 3 : index
    %get3A_144 = arith.constant 0 : index
    %get3A_145 = vector.load %arg2[%get3A_143, %get3A_144] : memref<32x512xf32, #tpu.memory_space<vmem>>, vector<1x512xf32>
    %jit3A_146 = arith.constant 0.000000e+00 : f32
    %broadcast_in_dim3A_147 = vector.shape_cast %get3A_145 : vector<1x512xf32> to vector<1x512xf32>
    %broadcast_in_dim3A_148 = vector.broadcast %broadcast_in_dim3A_147 : vector<1x512xf32> to vector<8x512xf32>
    %broadcast_in_dim3A_149 = vector.broadcast %jit3A_146 : f32 to vector<8x512xf32>
    %select_n3A_150 = arith.select %eq3A_142, %broadcast_in_dim3A_148, %broadcast_in_dim3A_149 : vector<8x512xi1>, vector<8x512xf32>
    %get3A_151 = arith.constant 0 : index
    %get3A_152 = arith.constant 0 : index
    %get3A_153 = vector.load %arg8[%get3A_151, %get3A_152] : memref<1x512xf32, #tpu.memory_space<vmem>>, vector<1x512xf32>
    %dot_general3A_154 = arith.constant dense<0.000000e+00> : vector<8x512xf32>
    %dot_general3A_155 = tpu.matmul %select_n3A_150, %mul3A_138, %dot_general3A_154 {dimension_numbers = #tpu.dot_dimension_numbers<[1], [0], [0], [1], [0, 0, 1, 1], [], []>, transpose_lhs_hint = false} : vector<8x512xf32>, vector<512x512xf32>, vector<8x512xf32> -> vector<8x512xf32>
    %slice3A_156 = vector.extract_strided_slice %dot_general3A_155 {offsets = [0, 0], sizes = [1, 512], strides = [1, 1]} : vector<8x512xf32> to vector<1x512xf32>
    %add3A_157 = arith.addf %get3A_153, %slice3A_156 : vector<1x512xf32>
    %swap3A_158 = arith.constant 0 : index
    %swap3A_159 = arith.constant 0 : index
    %swap3A_160 = vector.load %arg8[%swap3A_158, %swap3A_159] : memref<1x512xf32, #tpu.memory_space<vmem>>, vector<1x512xf32>
    tpu.vector_store %arg8[%swap3A_158, %swap3A_159], %add3A_157 {strides = array<i32>} : memref<1x512xf32, #tpu.memory_space<vmem>>, vector<1x512xf32>,
    %slice3A_161 = vector.extract_strided_slice %get3A_9 {offsets = [4, 0], sizes = [1, 512], strides = [1, 1]} : vector<32x512xbf16> to vector<1x512xbf16>
    %mul3A_162 = vector.broadcast %slice3A_161 : vector<1x512xbf16> to vector<512x512xbf16>
    %mul3A_163 = arith.mulf %get3A_3, %mul3A_162 : vector<512x512xbf16>
    %dot_general3A_164 = arith.constant dense<0.000000e+00> : vector<512x512xf32>
    %dot_general3A_165 = tpu.matmul %mul3A_163, %get3A_6, %dot_general3A_164 {dimension_numbers = #tpu.dot_dimension_numbers<[1], [0], [0], [1], [0, 0, 1, 1], [], []>, transpose_lhs_hint = false} : vector<512x512xbf16>, vector<512x512xbf16>, vector<512x512xf32> -> vector<512x512xf32>
    %log3A_166 = math.log %dot_general3A_165 : vector<512x512xf32>
    %log3A_167 = arith.constant 2.000000e+00 : f32
    %log3A_168 = math.log %log3A_167 : f32
    %div3A_169 = vector.broadcast %log3A_168 : f32 to vector<512x512xf32>
    %div3A_170 = arith.divf %log3A_166, %div3A_169 : vector<512x512xf32>
    %mul3A_171 = arith.mulf %dot_general3A_165, %div3A_170 : vector<512x512xf32>
    %iota3A_172 = tpu.iota {dimensions = array<i32: 0>} : vector<8x512xi32>
    %eq3A_173 = arith.constant 0 : i32
    %eq3A_174 = vector.broadcast %eq3A_173 : i32 to vector<8x512xi32>
    %eq3A_175 = arith.cmpi eq, %iota3A_172, %eq3A_174 : vector<8x512xi32>
    %get3A_176 = arith.constant 4 : index
    %get3A_177 = arith.constant 0 : index
    %get3A_178 = vector.load %arg2[%get3A_176, %get3A_177] : memref<32x512xf32, #tpu.memory_space<vmem>>, vector<1x512xf32>
    %jit3A_179 = arith.constant 0.000000e+00 : f32
    %broadcast_in_dim3A_180 = vector.shape_cast %get3A_178 : vector<1x512xf32> to vector<1x512xf32>
    %broadcast_in_dim3A_181 = vector.broadcast %broadcast_in_dim3A_180 : vector<1x512xf32> to vector<8x512xf32>
    %broadcast_in_dim3A_182 = vector.broadcast %jit3A_179 : f32 to vector<8x512xf32>
    %select_n3A_183 = arith.select %eq3A_175, %broadcast_in_dim3A_181, %broadcast_in_dim3A_182 : vector<8x512xi1>, vector<8x512xf32>
    %get3A_184 = arith.constant 0 : index
    %get3A_185 = arith.constant 0 : index
    %get3A_186 = vector.load %arg8[%get3A_184, %get3A_185] : memref<1x512xf32, #tpu.memory_space<vmem>>, vector<1x512xf32>
    %dot_general3A_187 = arith.constant dense<0.000000e+00> : vector<8x512xf32>
    %dot_general3A_188 = tpu.matmul %select_n3A_183, %mul3A_171, %dot_general3A_187 {dimension_numbers = #tpu.dot_dimension_numbers<[1], [0], [0], [1], [0, 0, 1, 1], [], []>, transpose_lhs_hint = false} : vector<8x512xf32>, vector<512x512xf32>, vector<8x512xf32> -> vector<8x512xf32>
    %slice3A_189 = vector.extract_strided_slice %dot_general3A_188 {offsets = [0, 0], sizes = [1, 512], strides = [1, 1]} : vector<8x512xf32> to vector<1x512xf32>
    %add3A_190 = arith.addf %get3A_186, %slice3A_189 : vector<1x512xf32>
    %swap3A_191 = arith.constant 0 : index
    %swap3A_192 = arith.constant 0 : index
    %swap3A_193 = vector.load %arg8[%swap3A_191, %swap3A_192] : memref<1x512xf32, #tpu.memory_space<vmem>>, vector<1x512xf32>
    tpu.vector_store %arg8[%swap3A_191, %swap3A_192], %add3A_190 {strides = array<i32>} : memref<1x512xf32, #tpu.memory_space<vmem>>, vector<1x512xf32>,
    %slice3A_194 = vector.extract_strided_slice %get3A_9 {offsets = [5, 0], sizes = [1, 512], strides = [1, 1]} : vector<32x512xbf16> to vector<1x512xbf16>
    %mul3A_195 = vector.broadcast %slice3A_194 : vector<1x512xbf16> to vector<512x512xbf16>
    %mul3A_196 = arith.mulf %get3A_3, %mul3A_195 : vector<512x512xbf16>
    %dot_general3A_197 = arith.constant dense<0.000000e+00> : vector<512x512xf32>
    %dot_general3A_198 = tpu.matmul %mul3A_196, %get3A_6, %dot_general3A_197 {dimension_numbers = #tpu.dot_dimension_numbers<[1], [0], [0], [1], [0, 0, 1, 1], [], []>, transpose_lhs_hint = false} : vector<512x512xbf16>, vector<512x512xbf16>, vector<512x512xf32> -> vector<512x512xf32>
    %log3A_199 = math.log %dot_general3A_198 : vector<512x512xf32>
    %log3A_200 = arith.constant 2.000000e+00 : f32
    %log3A_201 = math.log %log3A_200 : f32
    %div3A_202 = vector.broadcast %log3A_201 : f32 to vector<512x512xf32>
    %div3A_203 = arith.divf %log3A_199, %div3A_202 : vector<512x512xf32>
    %mul3A_204 = arith.mulf %dot_general3A_198, %div3A_203 : vector<512x512xf32>
    %iota3A_205 = tpu.iota {dimensions = array<i32: 0>} : vector<8x512xi32>
    %eq3A_206 = arith.constant 0 : i32
    %eq3A_207 = vector.broadcast %eq3A_206 : i32 to vector<8x512xi32>
    %eq3A_208 = arith.cmpi eq, %iota3A_205, %eq3A_207 : vector<8x512xi32>
    %get3A_209 = arith.constant 5 : index
    %get3A_210 = arith.constant 0 : index
    %get3A_211 = vector.load %arg2[%get3A_209, %get3A_210] : memref<32x512xf32, #tpu.memory_space<vmem>>, vector<1x512xf32>
    %jit3A_212 = arith.constant 0.000000e+00 : f32
    %broadcast_in_dim3A_213 = vector.shape_cast %get3A_211 : vector<1x512xf32> to vector<1x512xf32>
    %broadcast_in_dim3A_214 = vector.broadcast %broadcast_in_dim3A_213 : vector<1x512xf32> to vector<8x512xf32>
    %broadcast_in_dim3A_215 = vector.broadcast %jit3A_212 : f32 to vector<8x512xf32>
    %select_n3A_216 = arith.select %eq3A_208, %broadcast_in_dim3A_214, %broadcast_in_dim3A_215 : vector<8x512xi1>, vector<8x512xf32>
    %get3A_217 = arith.constant 0 : index
    %get3A_218 = arith.constant 0 : index
    %get3A_219 = vector.load %arg8[%get3A_217, %get3A_218] : memref<1x512xf32, #tpu.memory_space<vmem>>, vector<1x512xf32>
    %dot_general3A_220 = arith.constant dense<0.000000e+00> : vector<8x512xf32>
    %dot_general3A_221 = tpu.matmul %select_n3A_216, %mul3A_204, %dot_general3A_220 {dimension_numbers = #tpu.dot_dimension_numbers<[1], [0], [0], [1], [0, 0, 1, 1], [], []>, transpose_lhs_hint = false} : vector<8x512xf32>, vector<512x512xf32>, vector<8x512xf32> -> vector<8x512xf32>
    %slice3A_222 = vector.extract_strided_slice %dot_general3A_221 {offsets = [0, 0], sizes = [1, 512], strides = [1, 1]} : vector<8x512xf32> to vector<1x512xf32>
    %add3A_223 = arith.addf %get3A_219, %slice3A_222 : vector<1x512xf32>
    %swap3A_224 = arith.constant 0 : index
    %swap3A_225 = arith.constant 0 : index
    %swap3A_226 = vector.load %arg8[%swap3A_224, %swap3A_225] : memref<1x512xf32, #tpu.memory_space<vmem>>, vector<1x512xf32>
    tpu.vector_store %arg8[%swap3A_224, %swap3A_225], %add3A_223 {strides = array<i32>} : memref<1x512xf32, #tpu.memory_space<vmem>>, vector<1x512xf32>,
    %slice3A_227 = vector.extract_strided_slice %get3A_9 {offsets = [6, 0], sizes = [1, 512], strides = [1, 1]} : vector<32x512xbf16> to vector<1x512xbf16>
    %mul3A_228 = vector.broadcast %slice3A_227 : vector<1x512xbf16> to vector<512x512xbf16>
    %mul3A_229 = arith.mulf %get3A_3, %mul3A_228 : vector<512x512xbf16>
    %dot_general3A_230 = arith.constant dense<0.000000e+00> : vector<512x512xf32>
    %dot_general3A_231 = tpu.matmul %mul3A_229, %get3A_6, %dot_general3A_230 {dimension_numbers = #tpu.dot_dimension_numbers<[1], [0], [0], [1], [0, 0, 1, 1], [], []>, transpose_lhs_hint = false} : vector<512x512xbf16>, vector<512x512xbf16>, vector<512x512xf32> -> vector<512x512xf32>
    %log3A_232 = math.log %dot_general3A_231 : vector<512x512xf32>
    %log3A_233 = arith.constant 2.000000e+00 : f32
    %log3A_234 = math.log %log3A_233 : f32
    %div3A_235 = vector.broadcast %log3A_234 : f32 to vector<512x512xf32>
    %div3A_236 = arith.divf %log3A_232, %div3A_235 : vector<512x512xf32>
    %mul3A_237 = arith.mulf %dot_general3A_231, %div3A_236 : vector<512x512xf32>
    %iota3A_238 = tpu.iota {dimensions = array<i32: 0>} : vector<8x512xi32>
    %eq3A_239 = arith.constant 0 : i32
    %eq3A_240 = vector.broadcast %eq3A_239 : i32 to vector<8x512xi32>
    %eq3A_241 = arith.cmpi eq, %iota3A_238, %eq3A_240 : vector<8x512xi32>
    %get3A_242 = arith.constant 6 : index
    %get3A_243 = arith.constant 0 : index
    %get3A_244 = vector.load %arg2[%get3A_242, %get3A_243] : memref<32x512xf32, #tpu.memory_space<vmem>>, vector<1x512xf32>
    %jit3A_245 = arith.constant 0.000000e+00 : f32
    %broadcast_in_dim3A_246 = vector.shape_cast %get3A_244 : vector<1x512xf32> to vector<1x512xf32>
    %broadcast_in_dim3A_247 = vector.broadcast %broadcast_in_dim3A_246 : vector<1x512xf32> to vector<8x512xf32>
    %broadcast_in_dim3A_248 = vector.broadcast %jit3A_245 : f32 to vector<8x512xf32>
    %select_n3A_249 = arith.select %eq3A_241, %broadcast_in_dim3A_247, %broadcast_in_dim3A_248 : vector<8x512xi1>, vector<8x512xf32>
    %get3A_250 = arith.constant 0 : index
    %get3A_251 = arith.constant 0 : index
    %get3A_252 = vector.load %arg8[%get3A_250, %get3A_251] : memref<1x512xf32, #tpu.memory_space<vmem>>, vector<1x512xf32>
    %dot_general3A_253 = arith.constant dense<0.000000e+00> : vector<8x512xf32>
    %dot_general3A_254 = tpu.matmul %select_n3A_249, %mul3A_237, %dot_general3A_253 {dimension_numbers = #tpu.dot_dimension_numbers<[1], [0], [0], [1], [0, 0, 1, 1], [], []>, transpose_lhs_hint = false} : vector<8x512xf32>, vector<512x512xf32>, vector<8x512xf32> -> vector<8x512xf32>
    %slice3A_255 = vector.extract_strided_slice %dot_general3A_254 {offsets = [0, 0], sizes = [1, 512], strides = [1, 1]} : vector<8x512xf32> to vector<1x512xf32>
    %add3A_256 = arith.addf %get3A_252, %slice3A_255 : vector<1x512xf32>
    %swap3A_257 = arith.constant 0 : index
    %swap3A_258 = arith.constant 0 : index
    %swap3A_259 = vector.load %arg8[%swap3A_257, %swap3A_258] : memref<1x512xf32, #tpu.memory_space<vmem>>, vector<1x512xf32>
    tpu.vector_store %arg8[%swap3A_257, %swap3A_258], %add3A_256 {strides = array<i32>} : memref<1x512xf32, #tpu.memory_space<vmem>>, vector<1x512xf32>,
    %slice3A_260 = vector.extract_strided_slice %get3A_9 {offsets = [7, 0], sizes = [1, 512], strides = [1, 1]} : vector<32x512xbf16> to vector<1x512xbf16>
    %mul3A_261 = vector.broadcast %slice3A_260 : vector<1x512xbf16> to vector<512x512xbf16>
    %mul3A_262 = arith.mulf %get3A_3, %mul3A_261 : vector<512x512xbf16>
    %dot_general3A_263 = arith.constant dense<0.000000e+00> : vector<512x512xf32>
    %dot_general3A_264 = tpu.matmul %mul3A_262, %get3A_6, %dot_general3A_263 {dimension_numbers = #tpu.dot_dimension_numbers<[1], [0], [0], [1], [0, 0, 1, 1], [], []>, transpose_lhs_hint = false} : vector<512x512xbf16>, vector<512x512xbf16>, vector<512x512xf32> -> vector<512x512xf32>
    %log3A_265 = math.log %dot_general3A_264 : vector<512x512xf32>
    %log3A_266 = arith.constant 2.000000e+00 : f32
    %log3A_267 = math.log %log3A_266 : f32
    %div3A_268 = vector.broadcast %log3A_267 : f32 to vector<512x512xf32>
    %div3A_269 = arith.divf %log3A_265, %div3A_268 : vector<512x512xf32>
    %mul3A_270 = arith.mulf %dot_general3A_264, %div3A_269 : vector<512x512xf32>
    %iota3A_271 = tpu.iota {dimensions = array<i32: 0>} : vector<8x512xi32>
    %eq3A_272 = arith.constant 0 : i32
    %eq3A_273 = vector.broadcast %eq3A_272 : i32 to vector<8x512xi32>
    %eq3A_274 = arith.cmpi eq, %iota3A_271, %eq3A_273 : vector<8x512xi32>
    %get3A_275 = arith.constant 7 : index
    %get3A_276 = arith.constant 0 : index
    %get3A_277 = vector.load %arg2[%get3A_275, %get3A_276] : memref<32x512xf32, #tpu.memory_space<vmem>>, vector<1x512xf32>
    %jit3A_278 = arith.constant 0.000000e+00 : f32
    %broadcast_in_dim3A_279 = vector.shape_cast %get3A_277 : vector<1x512xf32> to vector<1x512xf32>
    %broadcast_in_dim3A_280 = vector.broadcast %broadcast_in_dim3A_279 : vector<1x512xf32> to vector<8x512xf32>
    %broadcast_in_dim3A_281 = vector.broadcast %jit3A_278 : f32 to vector<8x512xf32>
    %select_n3A_282 = arith.select %eq3A_274, %broadcast_in_dim3A_280, %broadcast_in_dim3A_281 : vector<8x512xi1>, vector<8x512xf32>
    %get3A_283 = arith.constant 0 : index
    %get3A_284 = arith.constant 0 : index
    %get3A_285 = vector.load %arg8[%get3A_283, %get3A_284] : memref<1x512xf32, #tpu.memory_space<vmem>>, vector<1x512xf32>
    %dot_general3A_286 = arith.constant dense<0.000000e+00> : vector<8x512xf32>
    %dot_general3A_287 = tpu.matmul %select_n3A_282, %mul3A_270, %dot_general3A_286 {dimension_numbers = #tpu.dot_dimension_numbers<[1], [0], [0], [1], [0, 0, 1, 1], [], []>, transpose_lhs_hint = false} : vector<8x512xf32>, vector<512x512xf32>, vector<8x512xf32> -> vector<8x512xf32>
    %slice3A_288 = vector.extract_strided_slice %dot_general3A_287 {offsets = [0, 0], sizes = [1, 512], strides = [1, 1]} : vector<8x512xf32> to vector<1x512xf32>
    %add3A_289 = arith.addf %get3A_285, %slice3A_288 : vector<1x512xf32>
    %swap3A_290 = arith.constant 0 : index
    %swap3A_291 = arith.constant 0 : index
    %swap3A_292 = vector.load %arg8[%swap3A_290, %swap3A_291] : memref<1x512xf32, #tpu.memory_space<vmem>>, vector<1x512xf32>
    tpu.vector_store %arg8[%swap3A_290, %swap3A_291], %add3A_289 {strides = array<i32>} : memref<1x512xf32, #tpu.memory_space<vmem>>, vector<1x512xf32>,
    %slice3A_293 = vector.extract_strided_slice %get3A_9 {offsets = [8, 0], sizes = [1, 512], strides = [1, 1]} : vector<32x512xbf16> to vector<1x512xbf16>
    %mul3A_294 = vector.broadcast %slice3A_293 : vector<1x512xbf16> to vector<512x512xbf16>
    %mul3A_295 = arith.mulf %get3A_3, %mul3A_294 : vector<512x512xbf16>
    %dot_general3A_296 = arith.constant dense<0.000000e+00> : vector<512x512xf32>
    %dot_general3A_297 = tpu.matmul %mul3A_295, %get3A_6, %dot_general3A_296 {dimension_numbers = #tpu.dot_dimension_numbers<[1], [0], [0], [1], [0, 0, 1, 1], [], []>, transpose_lhs_hint = false} : vector<512x512xbf16>, vector<512x512xbf16>, vector<512x512xf32> -> vector<512x512xf32>
    %log3A_298 = math.log %dot_general3A_297 : vector<512x512xf32>
    %log3A_299 = arith.constant 2.000000e+00 : f32
    %log3A_300 = math.log %log3A_299 : f32
    %div3A_301 = vector.broadcast %log3A_300 : f32 to vector<512x512xf32>
    %div3A_302 = arith.divf %log3A_298, %div3A_301 : vector<512x512xf32>
    %mul3A_303 = arith.mulf %dot_general3A_297, %div3A_302 : vector<512x512xf32>
    %iota3A_304 = tpu.iota {dimensions = array<i32: 0>} : vector<8x512xi32>
    %eq3A_305 = arith.constant 0 : i32
    %eq3A_306 = vector.broadcast %eq3A_305 : i32 to vector<8x512xi32>
    %eq3A_307 = arith.cmpi eq, %iota3A_304, %eq3A_306 : vector<8x512xi32>
    %get3A_308 = arith.constant 8 : index
    %get3A_309 = arith.constant 0 : index
    %get3A_310 = vector.load %arg2[%get3A_308, %get3A_309] : memref<32x512xf32, #tpu.memory_space<vmem>>, vector<1x512xf32>
    %jit3A_311 = arith.constant 0.000000e+00 : f32
    %broadcast_in_dim3A_312 = vector.shape_cast %get3A_310 : vector<1x512xf32> to vector<1x512xf32>
    %broadcast_in_dim3A_313 = vector.broadcast %broadcast_in_dim3A_312 : vector<1x512xf32> to vector<8x512xf32>
    %broadcast_in_dim3A_314 = vector.broadcast %jit3A_311 : f32 to vector<8x512xf32>
    %select_n3A_315 = arith.select %eq3A_307, %broadcast_in_dim3A_313, %broadcast_in_dim3A_314 : vector<8x512xi1>, vector<8x512xf32>
    %get3A_316 = arith.constant 0 : index
    %get3A_317 = arith.constant 0 : index
    %get3A_318 = vector.load %arg8[%get3A_316, %get3A_317] : memref<1x512xf32, #tpu.memory_space<vmem>>, vector<1x512xf32>
    %dot_general3A_319 = arith.constant dense<0.000000e+00> : vector<8x512xf32>
    %dot_general3A_320 = tpu.matmul %select_n3A_315, %mul3A_303, %dot_general3A_319 {dimension_numbers = #tpu.dot_dimension_numbers<[1], [0], [0], [1], [0, 0, 1, 1], [], []>, transpose_lhs_hint = false} : vector<8x512xf32>, vector<512x512xf32>, vector<8x512xf32> -> vector<8x512xf32>
    %slice3A_321 = vector.extract_strided_slice %dot_general3A_320 {offsets = [0, 0], sizes = [1, 512], strides = [1, 1]} : vector<8x512xf32> to vector<1x512xf32>
    %add3A_322 = arith.addf %get3A_318, %slice3A_321 : vector<1x512xf32>
    %swap3A_323 = arith.constant 0 : index
    %swap3A_324 = arith.constant 0 : index
    %swap3A_325 = vector.load %arg8[%swap3A_323, %swap3A_324] : memref<1x512xf32, #tpu.memory_space<vmem>>, vector<1x512xf32>
    tpu.vector_store %arg8[%swap3A_323, %swap3A_324], %add3A_322 {strides = array<i32>} : memref<1x512xf32, #tpu.memory_space<vmem>>, vector<1x512xf32>,
    %slice3A_326 = vector.extract_strided_slice %get3A_9 {offsets = [9, 0], sizes = [1, 512], strides = [1, 1]} : vector<32x512xbf16> to vector<1x512xbf16>
    %mul3A_327 = vector.broadcast %slice3A_326 : vector<1x512xbf16> to vector<512x512xbf16>
    %mul3A_328 = arith.mulf %get3A_3, %mul3A_327 : vector<512x512xbf16>
    %dot_general3A_329 = arith.constant dense<0.000000e+00> : vector<512x512xf32>
    %dot_general3A_330 = tpu.matmul %mul3A_328, %get3A_6, %dot_general3A_329 {dimension_numbers = #tpu.dot_dimension_numbers<[1], [0], [0], [1], [0, 0, 1, 1], [], []>, transpose_lhs_hint = false} : vector<512x512xbf16>, vector<512x512xbf16>, vector<512x512xf32> -> vector<512x512xf32>
    %log3A_331 = math.log %dot_general3A_330 : vector<512x512xf32>
    %log3A_332 = arith.constant 2.000000e+00 : f32
    %log3A_333 = math.log %log3A_332 : f32
    %div3A_334 = vector.broadcast %log3A_333 : f32 to vector<512x512xf32>
    %div3A_335 = arith.divf %log3A_331, %div3A_334 : vector<512x512xf32>
    %mul3A_336 = arith.mulf %dot_general3A_330, %div3A_335 : vector<512x512xf32>
    %iota3A_337 = tpu.iota {dimensions = array<i32: 0>} : vector<8x512xi32>
    %eq3A_338 = arith.constant 0 : i32
    %eq3A_339 = vector.broadcast %eq3A_338 : i32 to vector<8x512xi32>
    %eq3A_340 = arith.cmpi eq, %iota3A_337, %eq3A_339 : vector<8x512xi32>
    %get3A_341 = arith.constant 9 : index
    %get3A_342 = arith.constant 0 : index
    %get3A_343 = vector.load %arg2[%get3A_341, %get3A_342] : memref<32x512xf32, #tpu.memory_space<vmem>>, vector<1x512xf32>
    %jit3A_344 = arith.constant 0.000000e+00 : f32
    %broadcast_in_dim3A_345 = vector.shape_cast %get3A_343 : vector<1x512xf32> to vector<1x512xf32>
    %broadcast_in_dim3A_346 = vector.broadcast %broadcast_in_dim3A_345 : vector<1x512xf32> to vector<8x512xf32>
    %broadcast_in_dim3A_347 = vector.broadcast %jit3A_344 : f32 to vector<8x512xf32>
    %select_n3A_348 = arith.select %eq3A_340, %broadcast_in_dim3A_346, %broadcast_in_dim3A_347 : vector<8x512xi1>, vector<8x512xf32>
    %get3A_349 = arith.constant 0 : index
    %get3A_350 = arith.constant 0 : index
    %get3A_351 = vector.load %arg8[%get3A_349, %get3A_350] : memref<1x512xf32, #tpu.memory_space<vmem>>, vector<1x512xf32>
    %dot_general3A_352 = arith.constant dense<0.000000e+00> : vector<8x512xf32>
    %dot_general3A_353 = tpu.matmul %select_n3A_348, %mul3A_336, %dot_general3A_352 {dimension_numbers = #tpu.dot_dimension_numbers<[1], [0], [0], [1], [0, 0, 1, 1], [], []>, transpose_lhs_hint = false} : vector<8x512xf32>, vector<512x512xf32>, vector<8x512xf32> -> vector<8x512xf32>
    %slice3A_354 = vector.extract_strided_slice %dot_general3A_353 {offsets = [0, 0], sizes = [1, 512], strides = [1, 1]} : vector<8x512xf32> to vector<1x512xf32>
    %add3A_355 = arith.addf %get3A_351, %slice3A_354 : vector<1x512xf32>
    %swap3A_356 = arith.constant 0 : index
    %swap3A_357 = arith.constant 0 : index
    %swap3A_358 = vector.load %arg8[%swap3A_356, %swap3A_357] : memref<1x512xf32, #tpu.memory_space<vmem>>, vector<1x512xf32>
    tpu.vector_store %arg8[%swap3A_356, %swap3A_357], %add3A_355 {strides = array<i32>} : memref<1x512xf32, #tpu.memory_space<vmem>>, vector<1x512xf32>,
    %slice3A_359 = vector.extract_strided_slice %get3A_9 {offsets = [10, 0], sizes = [1, 512], strides = [1, 1]} : vector<32x512xbf16> to vector<1x512xbf16>
    %mul3A_360 = vector.broadcast %slice3A_359 : vector<1x512xbf16> to vector<512x512xbf16>
    %mul3A_361 = arith.mulf %get3A_3, %mul3A_360 : vector<512x512xbf16>
    %dot_general3A_362 = arith.constant dense<0.000000e+00> : vector<512x512xf32>
    %dot_general3A_363 = tpu.matmul %mul3A_361, %get3A_6, %dot_general3A_362 {dimension_numbers = #tpu.dot_dimension_numbers<[1], [0], [0], [1], [0, 0, 1, 1], [], []>, transpose_lhs_hint = false} : vector<512x512xbf16>, vector<512x512xbf16>, vector<512x512xf32> -> vector<512x512xf32>
    %log3A_364 = math.log %dot_general3A_363 : vector<512x512xf32>
    %log3A_365 = arith.constant 2.000000e+00 : f32
    %log3A_366 = math.log %log3A_365 : f32
    %div3A_367 = vector.broadcast %log3A_366 : f32 to vector<512x512xf32>
    %div3A_368 = arith.divf %log3A_364, %div3A_367 : vector<512x512xf32>
    %mul3A_369 = arith.mulf %dot_general3A_363, %div3A_368 : vector<512x512xf32>
    %iota3A_370 = tpu.iota {dimensions = array<i32: 0>} : vector<8x512xi32>
    %eq3A_371 = arith.constant 0 : i32
    %eq3A_372 = vector.broadcast %eq3A_371 : i32 to vector<8x512xi32>
    %eq3A_373 = arith.cmpi eq, %iota3A_370, %eq3A_372 : vector<8x512xi32>
    %get3A_374 = arith.constant 10 : index
    %get3A_375 = arith.constant 0 : index
    %get3A_376 = vector.load %arg2[%get3A_374, %get3A_375] : memref<32x512xf32, #tpu.memory_space<vmem>>, vector<1x512xf32>
    %jit3A_377 = arith.constant 0.000000e+00 : f32
    %broadcast_in_dim3A_378 = vector.shape_cast %get3A_376 : vector<1x512xf32> to vector<1x512xf32>
    %broadcast_in_dim3A_379 = vector.broadcast %broadcast_in_dim3A_378 : vector<1x512xf32> to vector<8x512xf32>
    %broadcast_in_dim3A_380 = vector.broadcast %jit3A_377 : f32 to vector<8x512xf32>
    %select_n3A_381 = arith.select %eq3A_373, %broadcast_in_dim3A_379, %broadcast_in_dim3A_380 : vector<8x512xi1>, vector<8x512xf32>
    %get3A_382 = arith.constant 0 : index
    %get3A_383 = arith.constant 0 : index
    %get3A_384 = vector.load %arg8[%get3A_382, %get3A_383] : memref<1x512xf32, #tpu.memory_space<vmem>>, vector<1x512xf32>
    %dot_general3A_385 = arith.constant dense<0.000000e+00> : vector<8x512xf32>
    %dot_general3A_386 = tpu.matmul %select_n3A_381, %mul3A_369, %dot_general3A_385 {dimension_numbers = #tpu.dot_dimension_numbers<[1], [0], [0], [1], [0, 0, 1, 1], [], []>, transpose_lhs_hint = false} : vector<8x512xf32>, vector<512x512xf32>, vector<8x512xf32> -> vector<8x512xf32>
    %slice3A_387 = vector.extract_strided_slice %dot_general3A_386 {offsets = [0, 0], sizes = [1, 512], strides = [1, 1]} : vector<8x512xf32> to vector<1x512xf32>
    %add3A_388 = arith.addf %get3A_384, %slice3A_387 : vector<1x512xf32>
    %swap3A_389 = arith.constant 0 : index
    %swap3A_390 = arith.constant 0 : index
    %swap3A_391 = vector.load %arg8[%swap3A_389, %swap3A_390] : memref<1x512xf32, #tpu.memory_space<vmem>>, vector<1x512xf32>
    tpu.vector_store %arg8[%swap3A_389, %swap3A_390], %add3A_388 {strides = array<i32>} : memref<1x512xf32, #tpu.memory_space<vmem>>, vector<1x512xf32>,
    %slice3A_392 = vector.extract_strided_slice %get3A_9 {offsets = [11, 0], sizes = [1, 512], strides = [1, 1]} : vector<32x512xbf16> to vector<1x512xbf16>
    %mul3A_393 = vector.broadcast %slice3A_392 : vector<1x512xbf16> to vector<512x512xbf16>
    %mul3A_394 = arith.mulf %get3A_3, %mul3A_393 : vector<512x512xbf16>
    %dot_general3A_395 = arith.constant dense<0.000000e+00> : vector<512x512xf32>
    %dot_general3A_396 = tpu.matmul %mul3A_394, %get3A_6, %dot_general3A_395 {dimension_numbers = #tpu.dot_dimension_numbers<[1], [0], [0], [1], [0, 0, 1, 1], [], []>, transpose_lhs_hint = false} : vector<512x512xbf16>, vector<512x512xbf16>, vector<512x512xf32> -> vector<512x512xf32>
    %log3A_397 = math.log %dot_general3A_396 : vector<512x512xf32>
    %log3A_398 = arith.constant 2.000000e+00 : f32
    %log3A_399 = math.log %log3A_398 : f32
    %div3A_400 = vector.broadcast %log3A_399 : f32 to vector<512x512xf32>
    %div3A_401 = arith.divf %log3A_397, %div3A_400 : vector<512x512xf32>
    %mul3A_402 = arith.mulf %dot_general3A_396, %div3A_401 : vector<512x512xf32>
    %iota3A_403 = tpu.iota {dimensions = array<i32: 0>} : vector<8x512xi32>
    %eq3A_404 = arith.constant 0 : i32
    %eq3A_405 = vector.broadcast %eq3A_404 : i32 to vector<8x512xi32>
    %eq3A_406 = arith.cmpi eq, %iota3A_403, %eq3A_405 : vector<8x512xi32>
    %get3A_407 = arith.constant 11 : index
    %get3A_408 = arith.constant 0 : index
    %get3A_409 = vector.load %arg2[%get3A_407, %get3A_408] : memref<32x512xf32, #tpu.memory_space<vmem>>, vector<1x512xf32>
    %jit3A_410 = arith.constant 0.000000e+00 : f32
    %broadcast_in_dim3A_411 = vector.shape_cast %get3A_409 : vector<1x512xf32> to vector<1x512xf32>
    %broadcast_in_dim3A_412 = vector.broadcast %broadcast_in_dim3A_411 : vector<1x512xf32> to vector<8x512xf32>
    %broadcast_in_dim3A_413 = vector.broadcast %jit3A_410 : f32 to vector<8x512xf32>
    %select_n3A_414 = arith.select %eq3A_406, %broadcast_in_dim3A_412, %broadcast_in_dim3A_413 : vector<8x512xi1>, vector<8x512xf32>
    %get3A_415 = arith.constant 0 : index
    %get3A_416 = arith.constant 0 : index
    %get3A_417 = vector.load %arg8[%get3A_415, %get3A_416] : memref<1x512xf32, #tpu.memory_space<vmem>>, vector<1x512xf32>
    %dot_general3A_418 = arith.constant dense<0.000000e+00> : vector<8x512xf32>
    %dot_general3A_419 = tpu.matmul %select_n3A_414, %mul3A_402, %dot_general3A_418 {dimension_numbers = #tpu.dot_dimension_numbers<[1], [0], [0], [1], [0, 0, 1, 1], [], []>, transpose_lhs_hint = false} : vector<8x512xf32>, vector<512x512xf32>, vector<8x512xf32> -> vector<8x512xf32>
    %slice3A_420 = vector.extract_strided_slice %dot_general3A_419 {offsets = [0, 0], sizes = [1, 512], strides = [1, 1]} : vector<8x512xf32> to vector<1x512xf32>
    %add3A_421 = arith.addf %get3A_417, %slice3A_420 : vector<1x512xf32>
    %swap3A_422 = arith.constant 0 : index
    %swap3A_423 = arith.constant 0 : index
    %swap3A_424 = vector.load %arg8[%swap3A_422, %swap3A_423] : memref<1x512xf32, #tpu.memory_space<vmem>>, vector<1x512xf32>
    tpu.vector_store %arg8[%swap3A_422, %swap3A_423], %add3A_421 {strides = array<i32>} : memref<1x512xf32, #tpu.memory_space<vmem>>, vector<1x512xf32>,
    %slice3A_425 = vector.extract_strided_slice %get3A_9 {offsets = [12, 0], sizes = [1, 512], strides = [1, 1]} : vector<32x512xbf16> to vector<1x512xbf16>
    %mul3A_426 = vector.broadcast %slice3A_425 : vector<1x512xbf16> to vector<512x512xbf16>
    %mul3A_427 = arith.mulf %get3A_3, %mul3A_426 : vector<512x512xbf16>
    %dot_general3A_428 = arith.constant dense<0.000000e+00> : vector<512x512xf32>
    %dot_general3A_429 = tpu.matmul %mul3A_427, %get3A_6, %dot_general3A_428 {dimension_numbers = #tpu.dot_dimension_numbers<[1], [0], [0], [1], [0, 0, 1, 1], [], []>, transpose_lhs_hint = false} : vector<512x512xbf16>, vector<512x512xbf16>, vector<512x512xf32> -> vector<512x512xf32>
    %log3A_430 = math.log %dot_general3A_429 : vector<512x512xf32>
    %log3A_431 = arith.constant 2.000000e+00 : f32
    %log3A_432 = math.log %log3A_431 : f32
    %div3A_433 = vector.broadcast %log3A_432 : f32 to vector<512x512xf32>
    %div3A_434 = arith.divf %log3A_430, %div3A_433 : vector<512x512xf32>
    %mul3A_435 = arith.mulf %dot_general3A_429, %div3A_434 : vector<512x512xf32>
    %iota3A_436 = tpu.iota {dimensions = array<i32: 0>} : vector<8x512xi32>
    %eq3A_437 = arith.constant 0 : i32
    %eq3A_438 = vector.broadcast %eq3A_437 : i32 to vector<8x512xi32>
    %eq3A_439 = arith.cmpi eq, %iota3A_436, %eq3A_438 : vector<8x512xi32>
    %get3A_440 = arith.constant 12 : index
    %get3A_441 = arith.constant 0 : index
    %get3A_442 = vector.load %arg2[%get3A_440, %get3A_441] : memref<32x512xf32, #tpu.memory_space<vmem>>, vector<1x512xf32>
    %jit3A_443 = arith.constant 0.000000e+00 : f32
    %broadcast_in_dim3A_444 = vector.shape_cast %get3A_442 : vector<1x512xf32> to vector<1x512xf32>
    %broadcast_in_dim3A_445 = vector.broadcast %broadcast_in_dim3A_444 : vector<1x512xf32> to vector<8x512xf32>
    %broadcast_in_dim3A_446 = vector.broadcast %jit3A_443 : f32 to vector<8x512xf32>
    %select_n3A_447 = arith.select %eq3A_439, %broadcast_in_dim3A_445, %broadcast_in_dim3A_446 : vector<8x512xi1>, vector<8x512xf32>
    %get3A_448 = arith.constant 0 : index
    %get3A_449 = arith.constant 0 : index
    %get3A_450 = vector.load %arg8[%get3A_448, %get3A_449] : memref<1x512xf32, #tpu.memory_space<vmem>>, vector<1x512xf32>
    %dot_general3A_451 = arith.constant dense<0.000000e+00> : vector<8x512xf32>
    %dot_general3A_452 = tpu.matmul %select_n3A_447, %mul3A_435, %dot_general3A_451 {dimension_numbers = #tpu.dot_dimension_numbers<[1], [0], [0], [1], [0, 0, 1, 1], [], []>, transpose_lhs_hint = false} : vector<8x512xf32>, vector<512x512xf32>, vector<8x512xf32> -> vector<8x512xf32>
    %slice3A_453 = vector.extract_strided_slice %dot_general3A_452 {offsets = [0, 0], sizes = [1, 512], strides = [1, 1]} : vector<8x512xf32> to vector<1x512xf32>
    %add3A_454 = arith.addf %get3A_450, %slice3A_453 : vector<1x512xf32>
    %swap3A_455 = arith.constant 0 : index
    %swap3A_456 = arith.constant 0 : index
    %swap3A_457 = vector.load %arg8[%swap3A_455, %swap3A_456] : memref<1x512xf32, #tpu.memory_space<vmem>>, vector<1x512xf32>
    tpu.vector_store %arg8[%swap3A_455, %swap3A_456], %add3A_454 {strides = array<i32>} : memref<1x512xf32, #tpu.memory_space<vmem>>, vector<1x512xf32>,
    %slice3A_458 = vector.extract_strided_slice %get3A_9 {offsets = [13, 0], sizes = [1, 512], strides = [1, 1]} : vector<32x512xbf16> to vector<1x512xbf16>
    %mul3A_459 = vector.broadcast %slice3A_458 : vector<1x512xbf16> to vector<512x512xbf16>
    %mul3A_460 = arith.mulf %get3A_3, %mul3A_459 : vector<512x512xbf16>
    %dot_general3A_461 = arith.constant dense<0.000000e+00> : vector<512x512xf32>
    %dot_general3A_462 = tpu.matmul %mul3A_460, %get3A_6, %dot_general3A_461 {dimension_numbers = #tpu.dot_dimension_numbers<[1], [0], [0], [1], [0, 0, 1, 1], [], []>, transpose_lhs_hint = false} : vector<512x512xbf16>, vector<512x512xbf16>, vector<512x512xf32> -> vector<512x512xf32>
    %log3A_463 = math.log %dot_general3A_462 : vector<512x512xf32>
    %log3A_464 = arith.constant 2.000000e+00 : f32
    %log3A_465 = math.log %log3A_464 : f32
    %div3A_466 = vector.broadcast %log3A_465 : f32 to vector<512x512xf32>
    %div3A_467 = arith.divf %log3A_463, %div3A_466 : vector<512x512xf32>
    %mul3A_468 = arith.mulf %dot_general3A_462, %div3A_467 : vector<512x512xf32>
    %iota3A_469 = tpu.iota {dimensions = array<i32: 0>} : vector<8x512xi32>
    %eq3A_470 = arith.constant 0 : i32
    %eq3A_471 = vector.broadcast %eq3A_470 : i32 to vector<8x512xi32>
    %eq3A_472 = arith.cmpi eq, %iota3A_469, %eq3A_471 : vector<8x512xi32>
    %get3A_473 = arith.constant 13 : index
    %get3A_474 = arith.constant 0 : index
    %get3A_475 = vector.load %arg2[%get3A_473, %get3A_474] : memref<32x512xf32, #tpu.memory_space<vmem>>, vector<1x512xf32>
    %jit3A_476 = arith.constant 0.000000e+00 : f32
    %broadcast_in_dim3A_477 = vector.shape_cast %get3A_475 : vector<1x512xf32> to vector<1x512xf32>
    %broadcast_in_dim3A_478 = vector.broadcast %broadcast_in_dim3A_477 : vector<1x512xf32> to vector<8x512xf32>
    %broadcast_in_dim3A_479 = vector.broadcast %jit3A_476 : f32 to vector<8x512xf32>
    %select_n3A_480 = arith.select %eq3A_472, %broadcast_in_dim3A_478, %broadcast_in_dim3A_479 : vector<8x512xi1>, vector<8x512xf32>
    %get3A_481 = arith.constant 0 : index
    %get3A_482 = arith.constant 0 : index
    %get3A_483 = vector.load %arg8[%get3A_481, %get3A_482] : memref<1x512xf32, #tpu.memory_space<vmem>>, vector<1x512xf32>
    %dot_general3A_484 = arith.constant dense<0.000000e+00> : vector<8x512xf32>
    %dot_general3A_485 = tpu.matmul %select_n3A_480, %mul3A_468, %dot_general3A_484 {dimension_numbers = #tpu.dot_dimension_numbers<[1], [0], [0], [1], [0, 0, 1, 1], [], []>, transpose_lhs_hint = false} : vector<8x512xf32>, vector<512x512xf32>, vector<8x512xf32> -> vector<8x512xf32>
    %slice3A_486 = vector.extract_strided_slice %dot_general3A_485 {offsets = [0, 0], sizes = [1, 512], strides = [1, 1]} : vector<8x512xf32> to vector<1x512xf32>
    %add3A_487 = arith.addf %get3A_483, %slice3A_486 : vector<1x512xf32>
    %swap3A_488 = arith.constant 0 : index
    %swap3A_489 = arith.constant 0 : index
    %swap3A_490 = vector.load %arg8[%swap3A_488, %swap3A_489] : memref<1x512xf32, #tpu.memory_space<vmem>>, vector<1x512xf32>
    tpu.vector_store %arg8[%swap3A_488, %swap3A_489], %add3A_487 {strides = array<i32>} : memref<1x512xf32, #tpu.memory_space<vmem>>, vector<1x512xf32>,
    %slice3A_491 = vector.extract_strided_slice %get3A_9 {offsets = [14, 0], sizes = [1, 512], strides = [1, 1]} : vector<32x512xbf16> to vector<1x512xbf16>
    %mul3A_492 = vector.broadcast %slice3A_491 : vector<1x512xbf16> to vector<512x512xbf16>
    %mul3A_493 = arith.mulf %get3A_3, %mul3A_492 : vector<512x512xbf16>
    %dot_general3A_494 = arith.constant dense<0.000000e+00> : vector<512x512xf32>
    %dot_general3A_495 = tpu.matmul %mul3A_493, %get3A_6, %dot_general3A_494 {dimension_numbers = #tpu.dot_dimension_numbers<[1], [0], [0], [1], [0, 0, 1, 1], [], []>, transpose_lhs_hint = false} : vector<512x512xbf16>, vector<512x512xbf16>, vector<512x512xf32> -> vector<512x512xf32>
    %log3A_496 = math.log %dot_general3A_495 : vector<512x512xf32>
    %log3A_497 = arith.constant 2.000000e+00 : f32
    %log3A_498 = math.log %log3A_497 : f32
    %div3A_499 = vector.broadcast %log3A_498 : f32 to vector<512x512xf32>
    %div3A_500 = arith.divf %log3A_496, %div3A_499 : vector<512x512xf32>
    %mul3A_501 = arith.mulf %dot_general3A_495, %div3A_500 : vector<512x512xf32>
    %iota3A_502 = tpu.iota {dimensions = array<i32: 0>} : vector<8x512xi32>
    %eq3A_503 = arith.constant 0 : i32
    %eq3A_504 = vector.broadcast %eq3A_503 : i32 to vector<8x512xi32>
    %eq3A_505 = arith.cmpi eq, %iota3A_502, %eq3A_504 : vector<8x512xi32>
    %get3A_506 = arith.constant 14 : index
    %get3A_507 = arith.constant 0 : index
    %get3A_508 = vector.load %arg2[%get3A_506, %get3A_507] : memref<32x512xf32, #tpu.memory_space<vmem>>, vector<1x512xf32>
    %jit3A_509 = arith.constant 0.000000e+00 : f32
    %broadcast_in_dim3A_510 = vector.shape_cast %get3A_508 : vector<1x512xf32> to vector<1x512xf32>
    %broadcast_in_dim3A_511 = vector.broadcast %broadcast_in_dim3A_510 : vector<1x512xf32> to vector<8x512xf32>
    %broadcast_in_dim3A_512 = vector.broadcast %jit3A_509 : f32 to vector<8x512xf32>
    %select_n3A_513 = arith.select %eq3A_505, %broadcast_in_dim3A_511, %broadcast_in_dim3A_512 : vector<8x512xi1>, vector<8x512xf32>
    %get3A_514 = arith.constant 0 : index
    %get3A_515 = arith.constant 0 : index
    %get3A_516 = vector.load %arg8[%get3A_514, %get3A_515] : memref<1x512xf32, #tpu.memory_space<vmem>>, vector<1x512xf32>
    %dot_general3A_517 = arith.constant dense<0.000000e+00> : vector<8x512xf32>
    %dot_general3A_518 = tpu.matmul %select_n3A_513, %mul3A_501, %dot_general3A_517 {dimension_numbers = #tpu.dot_dimension_numbers<[1], [0], [0], [1], [0, 0, 1, 1], [], []>, transpose_lhs_hint = false} : vector<8x512xf32>, vector<512x512xf32>, vector<8x512xf32> -> vector<8x512xf32>
    %slice3A_519 = vector.extract_strided_slice %dot_general3A_518 {offsets = [0, 0], sizes = [1, 512], strides = [1, 1]} : vector<8x512xf32> to vector<1x512xf32>
    %add3A_520 = arith.addf %get3A_516, %slice3A_519 : vector<1x512xf32>
    %swap3A_521 = arith.constant 0 : index
    %swap3A_522 = arith.constant 0 : index
    %swap3A_523 = vector.load %arg8[%swap3A_521, %swap3A_522] : memref<1x512xf32, #tpu.memory_space<vmem>>, vector<1x512xf32>
    tpu.vector_store %arg8[%swap3A_521, %swap3A_522], %add3A_520 {strides = array<i32>} : memref<1x512xf32, #tpu.memory_space<vmem>>, vector<1x512xf32>,
    %slice3A_524 = vector.extract_strided_slice %get3A_9 {offsets = [15, 0], sizes = [1, 512], strides = [1, 1]} : vector<32x512xbf16> to vector<1x512xbf16>
    %mul3A_525 = vector.broadcast %slice3A_524 : vector<1x512xbf16> to vector<512x512xbf16>
    %mul3A_526 = arith.mulf %get3A_3, %mul3A_525 : vector<512x512xbf16>
    %dot_general3A_527 = arith.constant dense<0.000000e+00> : vector<512x512xf32>
    %dot_general3A_528 = tpu.matmul %mul3A_526, %get3A_6, %dot_general3A_527 {dimension_numbers = #tpu.dot_dimension_numbers<[1], [0], [0], [1], [0, 0, 1, 1], [], []>, transpose_lhs_hint = false} : vector<512x512xbf16>, vector<512x512xbf16>, vector<512x512xf32> -> vector<512x512xf32>
    %log3A_529 = math.log %dot_general3A_528 : vector<512x512xf32>
    %log3A_530 = arith.constant 2.000000e+00 : f32
    %log3A_531 = math.log %log3A_530 : f32
    %div3A_532 = vector.broadcast %log3A_531 : f32 to vector<512x512xf32>
    %div3A_533 = arith.divf %log3A_529, %div3A_532 : vector<512x512xf32>
    %mul3A_534 = arith.mulf %dot_general3A_528, %div3A_533 : vector<512x512xf32>
    %iota3A_535 = tpu.iota {dimensions = array<i32: 0>} : vector<8x512xi32>
    %eq3A_536 = arith.constant 0 : i32
    %eq3A_537 = vector.broadcast %eq3A_536 : i32 to vector<8x512xi32>
    %eq3A_538 = arith.cmpi eq, %iota3A_535, %eq3A_537 : vector<8x512xi32>
    %get3A_539 = arith.constant 15 : index
    %get3A_540 = arith.constant 0 : index
    %get3A_541 = vector.load %arg2[%get3A_539, %get3A_540] : memref<32x512xf32, #tpu.memory_space<vmem>>, vector<1x512xf32>
    %jit3A_542 = arith.constant 0.000000e+00 : f32
    %broadcast_in_dim3A_543 = vector.shape_cast %get3A_541 : vector<1x512xf32> to vector<1x512xf32>
    %broadcast_in_dim3A_544 = vector.broadcast %broadcast_in_dim3A_543 : vector<1x512xf32> to vector<8x512xf32>
    %broadcast_in_dim3A_545 = vector.broadcast %jit3A_542 : f32 to vector<8x512xf32>
    %select_n3A_546 = arith.select %eq3A_538, %broadcast_in_dim3A_544, %broadcast_in_dim3A_545 : vector<8x512xi1>, vector<8x512xf32>
    %get3A_547 = arith.constant 0 : index
    %get3A_548 = arith.constant 0 : index
    %get3A_549 = vector.load %arg8[%get3A_547, %get3A_548] : memref<1x512xf32, #tpu.memory_space<vmem>>, vector<1x512xf32>
    %dot_general3A_550 = arith.constant dense<0.000000e+00> : vector<8x512xf32>
    %dot_general3A_551 = tpu.matmul %select_n3A_546, %mul3A_534, %dot_general3A_550 {dimension_numbers = #tpu.dot_dimension_numbers<[1], [0], [0], [1], [0, 0, 1, 1], [], []>, transpose_lhs_hint = false} : vector<8x512xf32>, vector<512x512xf32>, vector<8x512xf32> -> vector<8x512xf32>
    %slice3A_552 = vector.extract_strided_slice %dot_general3A_551 {offsets = [0, 0], sizes = [1, 512], strides = [1, 1]} : vector<8x512xf32> to vector<1x512xf32>
    %add3A_553 = arith.addf %get3A_549, %slice3A_552 : vector<1x512xf32>
    %swap3A_554 = arith.constant 0 : index
    %swap3A_555 = arith.constant 0 : index
    %swap3A_556 = vector.load %arg8[%swap3A_554, %swap3A_555] : memref<1x512xf32, #tpu.memory_space<vmem>>, vector<1x512xf32>
    tpu.vector_store %arg8[%swap3A_554, %swap3A_555], %add3A_553 {strides = array<i32>} : memref<1x512xf32, #tpu.memory_space<vmem>>, vector<1x512xf32>,
    %slice3A_557 = vector.extract_strided_slice %get3A_9 {offsets = [16, 0], sizes = [1, 512], strides = [1, 1]} : vector<32x512xbf16> to vector<1x512xbf16>
    %mul3A_558 = vector.broadcast %slice3A_557 : vector<1x512xbf16> to vector<512x512xbf16>
    %mul3A_559 = arith.mulf %get3A_3, %mul3A_558 : vector<512x512xbf16>
    %dot_general3A_560 = arith.constant dense<0.000000e+00> : vector<512x512xf32>
    %dot_general3A_561 = tpu.matmul %mul3A_559, %get3A_6, %dot_general3A_560 {dimension_numbers = #tpu.dot_dimension_numbers<[1], [0], [0], [1], [0, 0, 1, 1], [], []>, transpose_lhs_hint = false} : vector<512x512xbf16>, vector<512x512xbf16>, vector<512x512xf32> -> vector<512x512xf32>
    %log3A_562 = math.log %dot_general3A_561 : vector<512x512xf32>
    %log3A_563 = arith.constant 2.000000e+00 : f32
    %log3A_564 = math.log %log3A_563 : f32
    %div3A_565 = vector.broadcast %log3A_564 : f32 to vector<512x512xf32>
    %div3A_566 = arith.divf %log3A_562, %div3A_565 : vector<512x512xf32>
    %mul3A_567 = arith.mulf %dot_general3A_561, %div3A_566 : vector<512x512xf32>
    %iota3A_568 = tpu.iota {dimensions = array<i32: 0>} : vector<8x512xi32>
    %eq3A_569 = arith.constant 0 : i32
    %eq3A_570 = vector.broadcast %eq3A_569 : i32 to vector<8x512xi32>
    %eq3A_571 = arith.cmpi eq, %iota3A_568, %eq3A_570 : vector<8x512xi32>
    %get3A_572 = arith.constant 16 : index
    %get3A_573 = arith.constant 0 : index
    %get3A_574 = vector.load %arg2[%get3A_572, %get3A_573] : memref<32x512xf32, #tpu.memory_space<vmem>>, vector<1x512xf32>
    %jit3A_575 = arith.constant 0.000000e+00 : f32
    %broadcast_in_dim3A_576 = vector.shape_cast %get3A_574 : vector<1x512xf32> to vector<1x512xf32>
    %broadcast_in_dim3A_577 = vector.broadcast %broadcast_in_dim3A_576 : vector<1x512xf32> to vector<8x512xf32>
    %broadcast_in_dim3A_578 = vector.broadcast %jit3A_575 : f32 to vector<8x512xf32>
    %select_n3A_579 = arith.select %eq3A_571, %broadcast_in_dim3A_577, %broadcast_in_dim3A_578 : vector<8x512xi1>, vector<8x512xf32>
    %get3A_580 = arith.constant 0 : index
    %get3A_581 = arith.constant 0 : index
    %get3A_582 = vector.load %arg8[%get3A_580, %get3A_581] : memref<1x512xf32, #tpu.memory_space<vmem>>, vector<1x512xf32>
    %dot_general3A_583 = arith.constant dense<0.000000e+00> : vector<8x512xf32>
    %dot_general3A_584 = tpu.matmul %select_n3A_579, %mul3A_567, %dot_general3A_583 {dimension_numbers = #tpu.dot_dimension_numbers<[1], [0], [0], [1], [0, 0, 1, 1], [], []>, transpose_lhs_hint = false} : vector<8x512xf32>, vector<512x512xf32>, vector<8x512xf32> -> vector<8x512xf32>
    %slice3A_585 = vector.extract_strided_slice %dot_general3A_584 {offsets = [0, 0], sizes = [1, 512], strides = [1, 1]} : vector<8x512xf32> to vector<1x512xf32>
    %add3A_586 = arith.addf %get3A_582, %slice3A_585 : vector<1x512xf32>
    %swap3A_587 = arith.constant 0 : index
    %swap3A_588 = arith.constant 0 : index
    %swap3A_589 = vector.load %arg8[%swap3A_587, %swap3A_588] : memref<1x512xf32, #tpu.memory_space<vmem>>, vector<1x512xf32>
    tpu.vector_store %arg8[%swap3A_587, %swap3A_588], %add3A_586 {strides = array<i32>} : memref<1x512xf32, #tpu.memory_space<vmem>>, vector<1x512xf32>,
    %slice3A_590 = vector.extract_strided_slice %get3A_9 {offsets = [17, 0], sizes = [1, 512], strides = [1, 1]} : vector<32x512xbf16> to vector<1x512xbf16>
    %mul3A_591 = vector.broadcast %slice3A_590 : vector<1x512xbf16> to vector<512x512xbf16>
    %mul3A_592 = arith.mulf %get3A_3, %mul3A_591 : vector<512x512xbf16>
    %dot_general3A_593 = arith.constant dense<0.000000e+00> : vector<512x512xf32>
    %dot_general3A_594 = tpu.matmul %mul3A_592, %get3A_6, %dot_general3A_593 {dimension_numbers = #tpu.dot_dimension_numbers<[1], [0], [0], [1], [0, 0, 1, 1], [], []>, transpose_lhs_hint = false} : vector<512x512xbf16>, vector<512x512xbf16>, vector<512x512xf32> -> vector<512x512xf32>
    %log3A_595 = math.log %dot_general3A_594 : vector<512x512xf32>
    %log3A_596 = arith.constant 2.000000e+00 : f32
    %log3A_597 = math.log %log3A_596 : f32
    %div3A_598 = vector.broadcast %log3A_597 : f32 to vector<512x512xf32>
    %div3A_599 = arith.divf %log3A_595, %div3A_598 : vector<512x512xf32>
    %mul3A_600 = arith.mulf %dot_general3A_594, %div3A_599 : vector<512x512xf32>
    %iota3A_601 = tpu.iota {dimensions = array<i32: 0>} : vector<8x512xi32>
    %eq3A_602 = arith.constant 0 : i32
    %eq3A_603 = vector.broadcast %eq3A_602 : i32 to vector<8x512xi32>
    %eq3A_604 = arith.cmpi eq, %iota3A_601, %eq3A_603 : vector<8x512xi32>
    %get3A_605 = arith.constant 17 : index
    %get3A_606 = arith.constant 0 : index
    %get3A_607 = vector.load %arg2[%get3A_605, %get3A_606] : memref<32x512xf32, #tpu.memory_space<vmem>>, vector<1x512xf32>
    %jit3A_608 = arith.constant 0.000000e+00 : f32
    %broadcast_in_dim3A_609 = vector.shape_cast %get3A_607 : vector<1x512xf32> to vector<1x512xf32>
    %broadcast_in_dim3A_610 = vector.broadcast %broadcast_in_dim3A_609 : vector<1x512xf32> to vector<8x512xf32>
    %broadcast_in_dim3A_611 = vector.broadcast %jit3A_608 : f32 to vector<8x512xf32>
    %select_n3A_612 = arith.select %eq3A_604, %broadcast_in_dim3A_610, %broadcast_in_dim3A_611 : vector<8x512xi1>, vector<8x512xf32>
    %get3A_613 = arith.constant 0 : index
    %get3A_614 = arith.constant 0 : index
    %get3A_615 = vector.load %arg8[%get3A_613, %get3A_614] : memref<1x512xf32, #tpu.memory_space<vmem>>, vector<1x512xf32>
    %dot_general3A_616 = arith.constant dense<0.000000e+00> : vector<8x512xf32>
    %dot_general3A_617 = tpu.matmul %select_n3A_612, %mul3A_600, %dot_general3A_616 {dimension_numbers = #tpu.dot_dimension_numbers<[1], [0], [0], [1], [0, 0, 1, 1], [], []>, transpose_lhs_hint = false} : vector<8x512xf32>, vector<512x512xf32>, vector<8x512xf32> -> vector<8x512xf32>
    %slice3A_618 = vector.extract_strided_slice %dot_general3A_617 {offsets = [0, 0], sizes = [1, 512], strides = [1, 1]} : vector<8x512xf32> to vector<1x512xf32>
    %add3A_619 = arith.addf %get3A_615, %slice3A_618 : vector<1x512xf32>
    %swap3A_620 = arith.constant 0 : index
    %swap3A_621 = arith.constant 0 : index
    %swap3A_622 = vector.load %arg8[%swap3A_620, %swap3A_621] : memref<1x512xf32, #tpu.memory_space<vmem>>, vector<1x512xf32>
    tpu.vector_store %arg8[%swap3A_620, %swap3A_621], %add3A_619 {strides = array<i32>} : memref<1x512xf32, #tpu.memory_space<vmem>>, vector<1x512xf32>,
    %slice3A_623 = vector.extract_strided_slice %get3A_9 {offsets = [18, 0], sizes = [1, 512], strides = [1, 1]} : vector<32x512xbf16> to vector<1x512xbf16>
    %mul3A_624 = vector.broadcast %slice3A_623 : vector<1x512xbf16> to vector<512x512xbf16>
    %mul3A_625 = arith.mulf %get3A_3, %mul3A_624 : vector<512x512xbf16>
    %dot_general3A_626 = arith.constant dense<0.000000e+00> : vector<512x512xf32>
    %dot_general3A_627 = tpu.matmul %mul3A_625, %get3A_6, %dot_general3A_626 {dimension_numbers = #tpu.dot_dimension_numbers<[1], [0], [0], [1], [0, 0, 1, 1], [], []>, transpose_lhs_hint = false} : vector<512x512xbf16>, vector<512x512xbf16>, vector<512x512xf32> -> vector<512x512xf32>
    %log3A_628 = math.log %dot_general3A_627 : vector<512x512xf32>
    %log3A_629 = arith.constant 2.000000e+00 : f32
    %log3A_630 = math.log %log3A_629 : f32
    %div3A_631 = vector.broadcast %log3A_630 : f32 to vector<512x512xf32>
    %div3A_632 = arith.divf %log3A_628, %div3A_631 : vector<512x512xf32>
    %mul3A_633 = arith.mulf %dot_general3A_627, %div3A_632 : vector<512x512xf32>
    %iota3A_634 = tpu.iota {dimensions = array<i32: 0>} : vector<8x512xi32>
    %eq3A_635 = arith.constant 0 : i32
    %eq3A_636 = vector.broadcast %eq3A_635 : i32 to vector<8x512xi32>
    %eq3A_637 = arith.cmpi eq, %iota3A_634, %eq3A_636 : vector<8x512xi32>
    %get3A_638 = arith.constant 18 : index
    %get3A_639 = arith.constant 0 : index
    %get3A_640 = vector.load %arg2[%get3A_638, %get3A_639] : memref<32x512xf32, #tpu.memory_space<vmem>>, vector<1x512xf32>
    %jit3A_641 = arith.constant 0.000000e+00 : f32
    %broadcast_in_dim3A_642 = vector.shape_cast %get3A_640 : vector<1x512xf32> to vector<1x512xf32>
    %broadcast_in_dim3A_643 = vector.broadcast %broadcast_in_dim3A_642 : vector<1x512xf32> to vector<8x512xf32>
    %broadcast_in_dim3A_644 = vector.broadcast %jit3A_641 : f32 to vector<8x512xf32>
    %select_n3A_645 = arith.select %eq3A_637, %broadcast_in_dim3A_643, %broadcast_in_dim3A_644 : vector<8x512xi1>, vector<8x512xf32>
    %get3A_646 = arith.constant 0 : index
    %get3A_647 = arith.constant 0 : index
    %get3A_648 = vector.load %arg8[%get3A_646, %get3A_647] : memref<1x512xf32, #tpu.memory_space<vmem>>, vector<1x512xf32>
    %dot_general3A_649 = arith.constant dense<0.000000e+00> : vector<8x512xf32>
    %dot_general3A_650 = tpu.matmul %select_n3A_645, %mul3A_633, %dot_general3A_649 {dimension_numbers = #tpu.dot_dimension_numbers<[1], [0], [0], [1], [0, 0, 1, 1], [], []>, transpose_lhs_hint = false} : vector<8x512xf32>, vector<512x512xf32>, vector<8x512xf32> -> vector<8x512xf32>
    %slice3A_651 = vector.extract_strided_slice %dot_general3A_650 {offsets = [0, 0], sizes = [1, 512], strides = [1, 1]} : vector<8x512xf32> to vector<1x512xf32>
    %add3A_652 = arith.addf %get3A_648, %slice3A_651 : vector<1x512xf32>
    %swap3A_653 = arith.constant 0 : index
    %swap3A_654 = arith.constant 0 : index
    %swap3A_655 = vector.load %arg8[%swap3A_653, %swap3A_654] : memref<1x512xf32, #tpu.memory_space<vmem>>, vector<1x512xf32>
    tpu.vector_store %arg8[%swap3A_653, %swap3A_654], %add3A_652 {strides = array<i32>} : memref<1x512xf32, #tpu.memory_space<vmem>>, vector<1x512xf32>,
    %slice3A_656 = vector.extract_strided_slice %get3A_9 {offsets = [19, 0], sizes = [1, 512], strides = [1, 1]} : vector<32x512xbf16> to vector<1x512xbf16>
    %mul3A_657 = vector.broadcast %slice3A_656 : vector<1x512xbf16> to vector<512x512xbf16>
    %mul3A_658 = arith.mulf %get3A_3, %mul3A_657 : vector<512x512xbf16>
    %dot_general3A_659 = arith.constant dense<0.000000e+00> : vector<512x512xf32>
    %dot_general3A_660 = tpu.matmul %mul3A_658, %get3A_6, %dot_general3A_659 {dimension_numbers = #tpu.dot_dimension_numbers<[1], [0], [0], [1], [0, 0, 1, 1], [], []>, transpose_lhs_hint = false} : vector<512x512xbf16>, vector<512x512xbf16>, vector<512x512xf32> -> vector<512x512xf32>
    %log3A_661 = math.log %dot_general3A_660 : vector<512x512xf32>
    %log3A_662 = arith.constant 2.000000e+00 : f32
    %log3A_663 = math.log %log3A_662 : f32
    %div3A_664 = vector.broadcast %log3A_663 : f32 to vector<512x512xf32>
    %div3A_665 = arith.divf %log3A_661, %div3A_664 : vector<512x512xf32>
    %mul3A_666 = arith.mulf %dot_general3A_660, %div3A_665 : vector<512x512xf32>
    %iota3A_667 = tpu.iota {dimensions = array<i32: 0>} : vector<8x512xi32>
    %eq3A_668 = arith.constant 0 : i32
    %eq3A_669 = vector.broadcast %eq3A_668 : i32 to vector<8x512xi32>
    %eq3A_670 = arith.cmpi eq, %iota3A_667, %eq3A_669 : vector<8x512xi32>
    %get3A_671 = arith.constant 19 : index
    %get3A_672 = arith.constant 0 : index
    %get3A_673 = vector.load %arg2[%get3A_671, %get3A_672] : memref<32x512xf32, #tpu.memory_space<vmem>>, vector<1x512xf32>
    %jit3A_674 = arith.constant 0.000000e+00 : f32
    %broadcast_in_dim3A_675 = vector.shape_cast %get3A_673 : vector<1x512xf32> to vector<1x512xf32>
    %broadcast_in_dim3A_676 = vector.broadcast %broadcast_in_dim3A_675 : vector<1x512xf32> to vector<8x512xf32>
    %broadcast_in_dim3A_677 = vector.broadcast %jit3A_674 : f32 to vector<8x512xf32>
    %select_n3A_678 = arith.select %eq3A_670, %broadcast_in_dim3A_676, %broadcast_in_dim3A_677 : vector<8x512xi1>, vector<8x512xf32>
    %get3A_679 = arith.constant 0 : index
    %get3A_680 = arith.constant 0 : index
    %get3A_681 = vector.load %arg8[%get3A_679, %get3A_680] : memref<1x512xf32, #tpu.memory_space<vmem>>, vector<1x512xf32>
    %dot_general3A_682 = arith.constant dense<0.000000e+00> : vector<8x512xf32>
    %dot_general3A_683 = tpu.matmul %select_n3A_678, %mul3A_666, %dot_general3A_682 {dimension_numbers = #tpu.dot_dimension_numbers<[1], [0], [0], [1], [0, 0, 1, 1], [], []>, transpose_lhs_hint = false} : vector<8x512xf32>, vector<512x512xf32>, vector<8x512xf32> -> vector<8x512xf32>
    %slice3A_684 = vector.extract_strided_slice %dot_general3A_683 {offsets = [0, 0], sizes = [1, 512], strides = [1, 1]} : vector<8x512xf32> to vector<1x512xf32>
    %add3A_685 = arith.addf %get3A_681, %slice3A_684 : vector<1x512xf32>
    %swap3A_686 = arith.constant 0 : index
    %swap3A_687 = arith.constant 0 : index
    %swap3A_688 = vector.load %arg8[%swap3A_686, %swap3A_687] : memref<1x512xf32, #tpu.memory_space<vmem>>, vector<1x512xf32>
    tpu.vector_store %arg8[%swap3A_686, %swap3A_687], %add3A_685 {strides = array<i32>} : memref<1x512xf32, #tpu.memory_space<vmem>>, vector<1x512xf32>,
    %slice3A_689 = vector.extract_strided_slice %get3A_9 {offsets = [20, 0], sizes = [1, 512], strides = [1, 1]} : vector<32x512xbf16> to vector<1x512xbf16>
    %mul3A_690 = vector.broadcast %slice3A_689 : vector<1x512xbf16> to vector<512x512xbf16>
    %mul3A_691 = arith.mulf %get3A_3, %mul3A_690 : vector<512x512xbf16>
    %dot_general3A_692 = arith.constant dense<0.000000e+00> : vector<512x512xf32>
    %dot_general3A_693 = tpu.matmul %mul3A_691, %get3A_6, %dot_general3A_692 {dimension_numbers = #tpu.dot_dimension_numbers<[1], [0], [0], [1], [0, 0, 1, 1], [], []>, transpose_lhs_hint = false} : vector<512x512xbf16>, vector<512x512xbf16>, vector<512x512xf32> -> vector<512x512xf32>
    %log3A_694 = math.log %dot_general3A_693 : vector<512x512xf32>
    %log3A_695 = arith.constant 2.000000e+00 : f32
    %log3A_696 = math.log %log3A_695 : f32
    %div3A_697 = vector.broadcast %log3A_696 : f32 to vector<512x512xf32>
    %div3A_698 = arith.divf %log3A_694, %div3A_697 : vector<512x512xf32>
    %mul3A_699 = arith.mulf %dot_general3A_693, %div3A_698 : vector<512x512xf32>
    %iota3A_700 = tpu.iota {dimensions = array<i32: 0>} : vector<8x512xi32>
    %eq3A_701 = arith.constant 0 : i32
    %eq3A_702 = vector.broadcast %eq3A_701 : i32 to vector<8x512xi32>
    %eq3A_703 = arith.cmpi eq, %iota3A_700, %eq3A_702 : vector<8x512xi32>
    %get3A_704 = arith.constant 20 : index
    %get3A_705 = arith.constant 0 : index
    %get3A_706 = vector.load %arg2[%get3A_704, %get3A_705] : memref<32x512xf32, #tpu.memory_space<vmem>>, vector<1x512xf32>
    %jit3A_707 = arith.constant 0.000000e+00 : f32
    %broadcast_in_dim3A_708 = vector.shape_cast %get3A_706 : vector<1x512xf32> to vector<1x512xf32>
    %broadcast_in_dim3A_709 = vector.broadcast %broadcast_in_dim3A_708 : vector<1x512xf32> to vector<8x512xf32>
    %broadcast_in_dim3A_710 = vector.broadcast %jit3A_707 : f32 to vector<8x512xf32>
    %select_n3A_711 = arith.select %eq3A_703, %broadcast_in_dim3A_709, %broadcast_in_dim3A_710 : vector<8x512xi1>, vector<8x512xf32>
    %get3A_712 = arith.constant 0 : index
    %get3A_713 = arith.constant 0 : index
    %get3A_714 = vector.load %arg8[%get3A_712, %get3A_713] : memref<1x512xf32, #tpu.memory_space<vmem>>, vector<1x512xf32>
    %dot_general3A_715 = arith.constant dense<0.000000e+00> : vector<8x512xf32>
    %dot_general3A_716 = tpu.matmul %select_n3A_711, %mul3A_699, %dot_general3A_715 {dimension_numbers = #tpu.dot_dimension_numbers<[1], [0], [0], [1], [0, 0, 1, 1], [], []>, transpose_lhs_hint = false} : vector<8x512xf32>, vector<512x512xf32>, vector<8x512xf32> -> vector<8x512xf32>
    %slice3A_717 = vector.extract_strided_slice %dot_general3A_716 {offsets = [0, 0], sizes = [1, 512], strides = [1, 1]} : vector<8x512xf32> to vector<1x512xf32>
    %add3A_718 = arith.addf %get3A_714, %slice3A_717 : vector<1x512xf32>
    %swap3A_719 = arith.constant 0 : index
    %swap3A_720 = arith.constant 0 : index
    %swap3A_721 = vector.load %arg8[%swap3A_719, %swap3A_720] : memref<1x512xf32, #tpu.memory_space<vmem>>, vector<1x512xf32>
    tpu.vector_store %arg8[%swap3A_719, %swap3A_720], %add3A_718 {strides = array<i32>} : memref<1x512xf32, #tpu.memory_space<vmem>>, vector<1x512xf32>,
    %slice3A_722 = vector.extract_strided_slice %get3A_9 {offsets = [21, 0], sizes = [1, 512], strides = [1, 1]} : vector<32x512xbf16> to vector<1x512xbf16>
    %mul3A_723 = vector.broadcast %slice3A_722 : vector<1x512xbf16> to vector<512x512xbf16>
    %mul3A_724 = arith.mulf %get3A_3, %mul3A_723 : vector<512x512xbf16>
    %dot_general3A_725 = arith.constant dense<0.000000e+00> : vector<512x512xf32>
    %dot_general3A_726 = tpu.matmul %mul3A_724, %get3A_6, %dot_general3A_725 {dimension_numbers = #tpu.dot_dimension_numbers<[1], [0], [0], [1], [0, 0, 1, 1], [], []>, transpose_lhs_hint = false} : vector<512x512xbf16>, vector<512x512xbf16>, vector<512x512xf32> -> vector<512x512xf32>
    %log3A_727 = math.log %dot_general3A_726 : vector<512x512xf32>
    %log3A_728 = arith.constant 2.000000e+00 : f32
    %log3A_729 = math.log %log3A_728 : f32
    %div3A_730 = vector.broadcast %log3A_729 : f32 to vector<512x512xf32>
    %div3A_731 = arith.divf %log3A_727, %div3A_730 : vector<512x512xf32>
    %mul3A_732 = arith.mulf %dot_general3A_726, %div3A_731 : vector<512x512xf32>
    %iota3A_733 = tpu.iota {dimensions = array<i32: 0>} : vector<8x512xi32>
    %eq3A_734 = arith.constant 0 : i32
    %eq3A_735 = vector.broadcast %eq3A_734 : i32 to vector<8x512xi32>
    %eq3A_736 = arith.cmpi eq, %iota3A_733, %eq3A_735 : vector<8x512xi32>
    %get3A_737 = arith.constant 21 : index
    %get3A_738 = arith.constant 0 : index
    %get3A_739 = vector.load %arg2[%get3A_737, %get3A_738] : memref<32x512xf32, #tpu.memory_space<vmem>>, vector<1x512xf32>
    %jit3A_740 = arith.constant 0.000000e+00 : f32
    %broadcast_in_dim3A_741 = vector.shape_cast %get3A_739 : vector<1x512xf32> to vector<1x512xf32>
    %broadcast_in_dim3A_742 = vector.broadcast %broadcast_in_dim3A_741 : vector<1x512xf32> to vector<8x512xf32>
    %broadcast_in_dim3A_743 = vector.broadcast %jit3A_740 : f32 to vector<8x512xf32>
    %select_n3A_744 = arith.select %eq3A_736, %broadcast_in_dim3A_742, %broadcast_in_dim3A_743 : vector<8x512xi1>, vector<8x512xf32>
    %get3A_745 = arith.constant 0 : index
    %get3A_746 = arith.constant 0 : index
    %get3A_747 = vector.load %arg8[%get3A_745, %get3A_746] : memref<1x512xf32, #tpu.memory_space<vmem>>, vector<1x512xf32>
    %dot_general3A_748 = arith.constant dense<0.000000e+00> : vector<8x512xf32>
    %dot_general3A_749 = tpu.matmul %select_n3A_744, %mul3A_732, %dot_general3A_748 {dimension_numbers = #tpu.dot_dimension_numbers<[1], [0], [0], [1], [0, 0, 1, 1], [], []>, transpose_lhs_hint = false} : vector<8x512xf32>, vector<512x512xf32>, vector<8x512xf32> -> vector<8x512xf32>
    %slice3A_750 = vector.extract_strided_slice %dot_general3A_749 {offsets = [0, 0], sizes = [1, 512], strides = [1, 1]} : vector<8x512xf32> to vector<1x512xf32>
    %add3A_751 = arith.addf %get3A_747, %slice3A_750 : vector<1x512xf32>
    %swap3A_752 = arith.constant 0 : index
    %swap3A_753 = arith.constant 0 : index
    %swap3A_754 = vector.load %arg8[%swap3A_752, %swap3A_753] : memref<1x512xf32, #tpu.memory_space<vmem>>, vector<1x512xf32>
    tpu.vector_store %arg8[%swap3A_752, %swap3A_753], %add3A_751 {strides = array<i32>} : memref<1x512xf32, #tpu.memory_space<vmem>>, vector<1x512xf32>,
    %slice3A_755 = vector.extract_strided_slice %get3A_9 {offsets = [22, 0], sizes = [1, 512], strides = [1, 1]} : vector<32x512xbf16> to vector<1x512xbf16>
    %mul3A_756 = vector.broadcast %slice3A_755 : vector<1x512xbf16> to vector<512x512xbf16>
    %mul3A_757 = arith.mulf %get3A_3, %mul3A_756 : vector<512x512xbf16>
    %dot_general3A_758 = arith.constant dense<0.000000e+00> : vector<512x512xf32>
    %dot_general3A_759 = tpu.matmul %mul3A_757, %get3A_6, %dot_general3A_758 {dimension_numbers = #tpu.dot_dimension_numbers<[1], [0], [0], [1], [0, 0, 1, 1], [], []>, transpose_lhs_hint = false} : vector<512x512xbf16>, vector<512x512xbf16>, vector<512x512xf32> -> vector<512x512xf32>
    %log3A_760 = math.log %dot_general3A_759 : vector<512x512xf32>
    %log3A_761 = arith.constant 2.000000e+00 : f32
    %log3A_762 = math.log %log3A_761 : f32
    %div3A_763 = vector.broadcast %log3A_762 : f32 to vector<512x512xf32>
    %div3A_764 = arith.divf %log3A_760, %div3A_763 : vector<512x512xf32>
    %mul3A_765 = arith.mulf %dot_general3A_759, %div3A_764 : vector<512x512xf32>
    %iota3A_766 = tpu.iota {dimensions = array<i32: 0>} : vector<8x512xi32>
    %eq3A_767 = arith.constant 0 : i32
    %eq3A_768 = vector.broadcast %eq3A_767 : i32 to vector<8x512xi32>
    %eq3A_769 = arith.cmpi eq, %iota3A_766, %eq3A_768 : vector<8x512xi32>
    %get3A_770 = arith.constant 22 : index
    %get3A_771 = arith.constant 0 : index
    %get3A_772 = vector.load %arg2[%get3A_770, %get3A_771] : memref<32x512xf32, #tpu.memory_space<vmem>>, vector<1x512xf32>
    %jit3A_773 = arith.constant 0.000000e+00 : f32
    %broadcast_in_dim3A_774 = vector.shape_cast %get3A_772 : vector<1x512xf32> to vector<1x512xf32>
    %broadcast_in_dim3A_775 = vector.broadcast %broadcast_in_dim3A_774 : vector<1x512xf32> to vector<8x512xf32>
    %broadcast_in_dim3A_776 = vector.broadcast %jit3A_773 : f32 to vector<8x512xf32>
    %select_n3A_777 = arith.select %eq3A_769, %broadcast_in_dim3A_775, %broadcast_in_dim3A_776 : vector<8x512xi1>, vector<8x512xf32>
    %get3A_778 = arith.constant 0 : index
    %get3A_779 = arith.constant 0 : index
    %get3A_780 = vector.load %arg8[%get3A_778, %get3A_779] : memref<1x512xf32, #tpu.memory_space<vmem>>, vector<1x512xf32>
    %dot_general3A_781 = arith.constant dense<0.000000e+00> : vector<8x512xf32>
    %dot_general3A_782 = tpu.matmul %select_n3A_777, %mul3A_765, %dot_general3A_781 {dimension_numbers = #tpu.dot_dimension_numbers<[1], [0], [0], [1], [0, 0, 1, 1], [], []>, transpose_lhs_hint = false} : vector<8x512xf32>, vector<512x512xf32>, vector<8x512xf32> -> vector<8x512xf32>
    %slice3A_783 = vector.extract_strided_slice %dot_general3A_782 {offsets = [0, 0], sizes = [1, 512], strides = [1, 1]} : vector<8x512xf32> to vector<1x512xf32>
    %add3A_784 = arith.addf %get3A_780, %slice3A_783 : vector<1x512xf32>
    %swap3A_785 = arith.constant 0 : index
    %swap3A_786 = arith.constant 0 : index
    %swap3A_787 = vector.load %arg8[%swap3A_785, %swap3A_786] : memref<1x512xf32, #tpu.memory_space<vmem>>, vector<1x512xf32>
    tpu.vector_store %arg8[%swap3A_785, %swap3A_786], %add3A_784 {strides = array<i32>} : memref<1x512xf32, #tpu.memory_space<vmem>>, vector<1x512xf32>,
    %slice3A_788 = vector.extract_strided_slice %get3A_9 {offsets = [23, 0], sizes = [1, 512], strides = [1, 1]} : vector<32x512xbf16> to vector<1x512xbf16>
    %mul3A_789 = vector.broadcast %slice3A_788 : vector<1x512xbf16> to vector<512x512xbf16>
    %mul3A_790 = arith.mulf %get3A_3, %mul3A_789 : vector<512x512xbf16>
    %dot_general3A_791 = arith.constant dense<0.000000e+00> : vector<512x512xf32>
    %dot_general3A_792 = tpu.matmul %mul3A_790, %get3A_6, %dot_general3A_791 {dimension_numbers = #tpu.dot_dimension_numbers<[1], [0], [0], [1], [0, 0, 1, 1], [], []>, transpose_lhs_hint = false} : vector<512x512xbf16>, vector<512x512xbf16>, vector<512x512xf32> -> vector<512x512xf32>
    %log3A_793 = math.log %dot_general3A_792 : vector<512x512xf32>
    %log3A_794 = arith.constant 2.000000e+00 : f32
    %log3A_795 = math.log %log3A_794 : f32
    %div3A_796 = vector.broadcast %log3A_795 : f32 to vector<512x512xf32>
    %div3A_797 = arith.divf %log3A_793, %div3A_796 : vector<512x512xf32>
    %mul3A_798 = arith.mulf %dot_general3A_792, %div3A_797 : vector<512x512xf32>
    %iota3A_799 = tpu.iota {dimensions = array<i32: 0>} : vector<8x512xi32>
    %eq3A_800 = arith.constant 0 : i32
    %eq3A_801 = vector.broadcast %eq3A_800 : i32 to vector<8x512xi32>
    %eq3A_802 = arith.cmpi eq, %iota3A_799, %eq3A_801 : vector<8x512xi32>
    %get3A_803 = arith.constant 23 : index
    %get3A_804 = arith.constant 0 : index
    %get3A_805 = vector.load %arg2[%get3A_803, %get3A_804] : memref<32x512xf32, #tpu.memory_space<vmem>>, vector<1x512xf32>
    %jit3A_806 = arith.constant 0.000000e+00 : f32
    %broadcast_in_dim3A_807 = vector.shape_cast %get3A_805 : vector<1x512xf32> to vector<1x512xf32>
    %broadcast_in_dim3A_808 = vector.broadcast %broadcast_in_dim3A_807 : vector<1x512xf32> to vector<8x512xf32>
    %broadcast_in_dim3A_809 = vector.broadcast %jit3A_806 : f32 to vector<8x512xf32>
    %select_n3A_810 = arith.select %eq3A_802, %broadcast_in_dim3A_808, %broadcast_in_dim3A_809 : vector<8x512xi1>, vector<8x512xf32>
    %get3A_811 = arith.constant 0 : index
    %get3A_812 = arith.constant 0 : index
    %get3A_813 = vector.load %arg8[%get3A_811, %get3A_812] : memref<1x512xf32, #tpu.memory_space<vmem>>, vector<1x512xf32>
    %dot_general3A_814 = arith.constant dense<0.000000e+00> : vector<8x512xf32>
    %dot_general3A_815 = tpu.matmul %select_n3A_810, %mul3A_798, %dot_general3A_814 {dimension_numbers = #tpu.dot_dimension_numbers<[1], [0], [0], [1], [0, 0, 1, 1], [], []>, transpose_lhs_hint = false} : vector<8x512xf32>, vector<512x512xf32>, vector<8x512xf32> -> vector<8x512xf32>
    %slice3A_816 = vector.extract_strided_slice %dot_general3A_815 {offsets = [0, 0], sizes = [1, 512], strides = [1, 1]} : vector<8x512xf32> to vector<1x512xf32>
    %add3A_817 = arith.addf %get3A_813, %slice3A_816 : vector<1x512xf32>
    %swap3A_818 = arith.constant 0 : index
    %swap3A_819 = arith.constant 0 : index
    %swap3A_820 = vector.load %arg8[%swap3A_818, %swap3A_819] : memref<1x512xf32, #tpu.memory_space<vmem>>, vector<1x512xf32>
    tpu.vector_store %arg8[%swap3A_818, %swap3A_819], %add3A_817 {strides = array<i32>} : memref<1x512xf32, #tpu.memory_space<vmem>>, vector<1x512xf32>,
    %slice3A_821 = vector.extract_strided_slice %get3A_9 {offsets = [24, 0], sizes = [1, 512], strides = [1, 1]} : vector<32x512xbf16> to vector<1x512xbf16>
    %mul3A_822 = vector.broadcast %slice3A_821 : vector<1x512xbf16> to vector<512x512xbf16>
    %mul3A_823 = arith.mulf %get3A_3, %mul3A_822 : vector<512x512xbf16>
    %dot_general3A_824 = arith.constant dense<0.000000e+00> : vector<512x512xf32>
    %dot_general3A_825 = tpu.matmul %mul3A_823, %get3A_6, %dot_general3A_824 {dimension_numbers = #tpu.dot_dimension_numbers<[1], [0], [0], [1], [0, 0, 1, 1], [], []>, transpose_lhs_hint = false} : vector<512x512xbf16>, vector<512x512xbf16>, vector<512x512xf32> -> vector<512x512xf32>
    %log3A_826 = math.log %dot_general3A_825 : vector<512x512xf32>
    %log3A_827 = arith.constant 2.000000e+00 : f32
    %log3A_828 = math.log %log3A_827 : f32
    %div3A_829 = vector.broadcast %log3A_828 : f32 to vector<512x512xf32>
    %div3A_830 = arith.divf %log3A_826, %div3A_829 : vector<512x512xf32>
    %mul3A_831 = arith.mulf %dot_general3A_825, %div3A_830 : vector<512x512xf32>
    %iota3A_832 = tpu.iota {dimensions = array<i32: 0>} : vector<8x512xi32>
    %eq3A_833 = arith.constant 0 : i32
    %eq3A_834 = vector.broadcast %eq3A_833 : i32 to vector<8x512xi32>
    %eq3A_835 = arith.cmpi eq, %iota3A_832, %eq3A_834 : vector<8x512xi32>
    %get3A_836 = arith.constant 24 : index
    %get3A_837 = arith.constant 0 : index
    %get3A_838 = vector.load %arg2[%get3A_836, %get3A_837] : memref<32x512xf32, #tpu.memory_space<vmem>>, vector<1x512xf32>
    %jit3A_839 = arith.constant 0.000000e+00 : f32
    %broadcast_in_dim3A_840 = vector.shape_cast %get3A_838 : vector<1x512xf32> to vector<1x512xf32>
    %broadcast_in_dim3A_841 = vector.broadcast %broadcast_in_dim3A_840 : vector<1x512xf32> to vector<8x512xf32>
    %broadcast_in_dim3A_842 = vector.broadcast %jit3A_839 : f32 to vector<8x512xf32>
    %select_n3A_843 = arith.select %eq3A_835, %broadcast_in_dim3A_841, %broadcast_in_dim3A_842 : vector<8x512xi1>, vector<8x512xf32>
    %get3A_844 = arith.constant 0 : index
    %get3A_845 = arith.constant 0 : index
    %get3A_846 = vector.load %arg8[%get3A_844, %get3A_845] : memref<1x512xf32, #tpu.memory_space<vmem>>, vector<1x512xf32>
    %dot_general3A_847 = arith.constant dense<0.000000e+00> : vector<8x512xf32>
    %dot_general3A_848 = tpu.matmul %select_n3A_843, %mul3A_831, %dot_general3A_847 {dimension_numbers = #tpu.dot_dimension_numbers<[1], [0], [0], [1], [0, 0, 1, 1], [], []>, transpose_lhs_hint = false} : vector<8x512xf32>, vector<512x512xf32>, vector<8x512xf32> -> vector<8x512xf32>
    %slice3A_849 = vector.extract_strided_slice %dot_general3A_848 {offsets = [0, 0], sizes = [1, 512], strides = [1, 1]} : vector<8x512xf32> to vector<1x512xf32>
    %add3A_850 = arith.addf %get3A_846, %slice3A_849 : vector<1x512xf32>
    %swap3A_851 = arith.constant 0 : index
    %swap3A_852 = arith.constant 0 : index
    %swap3A_853 = vector.load %arg8[%swap3A_851, %swap3A_852] : memref<1x512xf32, #tpu.memory_space<vmem>>, vector<1x512xf32>
    tpu.vector_store %arg8[%swap3A_851, %swap3A_852], %add3A_850 {strides = array<i32>} : memref<1x512xf32, #tpu.memory_space<vmem>>, vector<1x512xf32>,
    %slice3A_854 = vector.extract_strided_slice %get3A_9 {offsets = [25, 0], sizes = [1, 512], strides = [1, 1]} : vector<32x512xbf16> to vector<1x512xbf16>
    %mul3A_855 = vector.broadcast %slice3A_854 : vector<1x512xbf16> to vector<512x512xbf16>
    %mul3A_856 = arith.mulf %get3A_3, %mul3A_855 : vector<512x512xbf16>
    %dot_general3A_857 = arith.constant dense<0.000000e+00> : vector<512x512xf32>
    %dot_general3A_858 = tpu.matmul %mul3A_856, %get3A_6, %dot_general3A_857 {dimension_numbers = #tpu.dot_dimension_numbers<[1], [0], [0], [1], [0, 0, 1, 1], [], []>, transpose_lhs_hint = false} : vector<512x512xbf16>, vector<512x512xbf16>, vector<512x512xf32> -> vector<512x512xf32>
    %log3A_859 = math.log %dot_general3A_858 : vector<512x512xf32>
    %log3A_860 = arith.constant 2.000000e+00 : f32
    %log3A_861 = math.log %log3A_860 : f32
    %div3A_862 = vector.broadcast %log3A_861 : f32 to vector<512x512xf32>
    %div3A_863 = arith.divf %log3A_859, %div3A_862 : vector<512x512xf32>
    %mul3A_864 = arith.mulf %dot_general3A_858, %div3A_863 : vector<512x512xf32>
    %iota3A_865 = tpu.iota {dimensions = array<i32: 0>} : vector<8x512xi32>
    %eq3A_866 = arith.constant 0 : i32
    %eq3A_867 = vector.broadcast %eq3A_866 : i32 to vector<8x512xi32>
    %eq3A_868 = arith.cmpi eq, %iota3A_865, %eq3A_867 : vector<8x512xi32>
    %get3A_869 = arith.constant 25 : index
    %get3A_870 = arith.constant 0 : index
    %get3A_871 = vector.load %arg2[%get3A_869, %get3A_870] : memref<32x512xf32, #tpu.memory_space<vmem>>, vector<1x512xf32>
    %jit3A_872 = arith.constant 0.000000e+00 : f32
    %broadcast_in_dim3A_873 = vector.shape_cast %get3A_871 : vector<1x512xf32> to vector<1x512xf32>
    %broadcast_in_dim3A_874 = vector.broadcast %broadcast_in_dim3A_873 : vector<1x512xf32> to vector<8x512xf32>
    %broadcast_in_dim3A_875 = vector.broadcast %jit3A_872 : f32 to vector<8x512xf32>
    %select_n3A_876 = arith.select %eq3A_868, %broadcast_in_dim3A_874, %broadcast_in_dim3A_875 : vector<8x512xi1>, vector<8x512xf32>
    %get3A_877 = arith.constant 0 : index
    %get3A_878 = arith.constant 0 : index
    %get3A_879 = vector.load %arg8[%get3A_877, %get3A_878] : memref<1x512xf32, #tpu.memory_space<vmem>>, vector<1x512xf32>
    %dot_general3A_880 = arith.constant dense<0.000000e+00> : vector<8x512xf32>
    %dot_general3A_881 = tpu.matmul %select_n3A_876, %mul3A_864, %dot_general3A_880 {dimension_numbers = #tpu.dot_dimension_numbers<[1], [0], [0], [1], [0, 0, 1, 1], [], []>, transpose_lhs_hint = false} : vector<8x512xf32>, vector<512x512xf32>, vector<8x512xf32> -> vector<8x512xf32>
    %slice3A_882 = vector.extract_strided_slice %dot_general3A_881 {offsets = [0, 0], sizes = [1, 512], strides = [1, 1]} : vector<8x512xf32> to vector<1x512xf32>
    %add3A_883 = arith.addf %get3A_879, %slice3A_882 : vector<1x512xf32>
    %swap3A_884 = arith.constant 0 : index
    %swap3A_885 = arith.constant 0 : index
    %swap3A_886 = vector.load %arg8[%swap3A_884, %swap3A_885] : memref<1x512xf32, #tpu.memory_space<vmem>>, vector<1x512xf32>
    tpu.vector_store %arg8[%swap3A_884, %swap3A_885], %add3A_883 {strides = array<i32>} : memref<1x512xf32, #tpu.memory_space<vmem>>, vector<1x512xf32>,
    %slice3A_887 = vector.extract_strided_slice %get3A_9 {offsets = [26, 0], sizes = [1, 512], strides = [1, 1]} : vector<32x512xbf16> to vector<1x512xbf16>
    %mul3A_888 = vector.broadcast %slice3A_887 : vector<1x512xbf16> to vector<512x512xbf16>
    %mul3A_889 = arith.mulf %get3A_3, %mul3A_888 : vector<512x512xbf16>
    %dot_general3A_890 = arith.constant dense<0.000000e+00> : vector<512x512xf32>
    %dot_general3A_891 = tpu.matmul %mul3A_889, %get3A_6, %dot_general3A_890 {dimension_numbers = #tpu.dot_dimension_numbers<[1], [0], [0], [1], [0, 0, 1, 1], [], []>, transpose_lhs_hint = false} : vector<512x512xbf16>, vector<512x512xbf16>, vector<512x512xf32> -> vector<512x512xf32>
    %log3A_892 = math.log %dot_general3A_891 : vector<512x512xf32>
    %log3A_893 = arith.constant 2.000000e+00 : f32
    %log3A_894 = math.log %log3A_893 : f32
    %div3A_895 = vector.broadcast %log3A_894 : f32 to vector<512x512xf32>
    %div3A_896 = arith.divf %log3A_892, %div3A_895 : vector<512x512xf32>
    %mul3A_897 = arith.mulf %dot_general3A_891, %div3A_896 : vector<512x512xf32>
    %iota3A_898 = tpu.iota {dimensions = array<i32: 0>} : vector<8x512xi32>
    %eq3A_899 = arith.constant 0 : i32
    %eq3A_900 = vector.broadcast %eq3A_899 : i32 to vector<8x512xi32>
    %eq3A_901 = arith.cmpi eq, %iota3A_898, %eq3A_900 : vector<8x512xi32>
    %get3A_902 = arith.constant 26 : index
    %get3A_903 = arith.constant 0 : index
    %get3A_904 = vector.load %arg2[%get3A_902, %get3A_903] : memref<32x512xf32, #tpu.memory_space<vmem>>, vector<1x512xf32>
    %jit3A_905 = arith.constant 0.000000e+00 : f32
    %broadcast_in_dim3A_906 = vector.shape_cast %get3A_904 : vector<1x512xf32> to vector<1x512xf32>
    %broadcast_in_dim3A_907 = vector.broadcast %broadcast_in_dim3A_906 : vector<1x512xf32> to vector<8x512xf32>
    %broadcast_in_dim3A_908 = vector.broadcast %jit3A_905 : f32 to vector<8x512xf32>
    %select_n3A_909 = arith.select %eq3A_901, %broadcast_in_dim3A_907, %broadcast_in_dim3A_908 : vector<8x512xi1>, vector<8x512xf32>
    %get3A_910 = arith.constant 0 : index
    %get3A_911 = arith.constant 0 : index
    %get3A_912 = vector.load %arg8[%get3A_910, %get3A_911] : memref<1x512xf32, #tpu.memory_space<vmem>>, vector<1x512xf32>
    %dot_general3A_913 = arith.constant dense<0.000000e+00> : vector<8x512xf32>
    %dot_general3A_914 = tpu.matmul %select_n3A_909, %mul3A_897, %dot_general3A_913 {dimension_numbers = #tpu.dot_dimension_numbers<[1], [0], [0], [1], [0, 0, 1, 1], [], []>, transpose_lhs_hint = false} : vector<8x512xf32>, vector<512x512xf32>, vector<8x512xf32> -> vector<8x512xf32>
    %slice3A_915 = vector.extract_strided_slice %dot_general3A_914 {offsets = [0, 0], sizes = [1, 512], strides = [1, 1]} : vector<8x512xf32> to vector<1x512xf32>
    %add3A_916 = arith.addf %get3A_912, %slice3A_915 : vector<1x512xf32>
    %swap3A_917 = arith.constant 0 : index
    %swap3A_918 = arith.constant 0 : index
    %swap3A_919 = vector.load %arg8[%swap3A_917, %swap3A_918] : memref<1x512xf32, #tpu.memory_space<vmem>>, vector<1x512xf32>
    tpu.vector_store %arg8[%swap3A_917, %swap3A_918], %add3A_916 {strides = array<i32>} : memref<1x512xf32, #tpu.memory_space<vmem>>, vector<1x512xf32>,
    %slice3A_920 = vector.extract_strided_slice %get3A_9 {offsets = [27, 0], sizes = [1, 512], strides = [1, 1]} : vector<32x512xbf16> to vector<1x512xbf16>
    %mul3A_921 = vector.broadcast %slice3A_920 : vector<1x512xbf16> to vector<512x512xbf16>
    %mul3A_922 = arith.mulf %get3A_3, %mul3A_921 : vector<512x512xbf16>
    %dot_general3A_923 = arith.constant dense<0.000000e+00> : vector<512x512xf32>
    %dot_general3A_924 = tpu.matmul %mul3A_922, %get3A_6, %dot_general3A_923 {dimension_numbers = #tpu.dot_dimension_numbers<[1], [0], [0], [1], [0, 0, 1, 1], [], []>, transpose_lhs_hint = false} : vector<512x512xbf16>, vector<512x512xbf16>, vector<512x512xf32> -> vector<512x512xf32>
    %log3A_925 = math.log %dot_general3A_924 : vector<512x512xf32>
    %log3A_926 = arith.constant 2.000000e+00 : f32
    %log3A_927 = math.log %log3A_926 : f32
    %div3A_928 = vector.broadcast %log3A_927 : f32 to vector<512x512xf32>
    %div3A_929 = arith.divf %log3A_925, %div3A_928 : vector<512x512xf32>
    %mul3A_930 = arith.mulf %dot_general3A_924, %div3A_929 : vector<512x512xf32>
    %iota3A_931 = tpu.iota {dimensions = array<i32: 0>} : vector<8x512xi32>
    %eq3A_932 = arith.constant 0 : i32
    %eq3A_933 = vector.broadcast %eq3A_932 : i32 to vector<8x512xi32>
    %eq3A_934 = arith.cmpi eq, %iota3A_931, %eq3A_933 : vector<8x512xi32>
    %get3A_935 = arith.constant 27 : index
    %get3A_936 = arith.constant 0 : index
    %get3A_937 = vector.load %arg2[%get3A_935, %get3A_936] : memref<32x512xf32, #tpu.memory_space<vmem>>, vector<1x512xf32>
    %jit3A_938 = arith.constant 0.000000e+00 : f32
    %broadcast_in_dim3A_939 = vector.shape_cast %get3A_937 : vector<1x512xf32> to vector<1x512xf32>
    %broadcast_in_dim3A_940 = vector.broadcast %broadcast_in_dim3A_939 : vector<1x512xf32> to vector<8x512xf32>
    %broadcast_in_dim3A_941 = vector.broadcast %jit3A_938 : f32 to vector<8x512xf32>
    %select_n3A_942 = arith.select %eq3A_934, %broadcast_in_dim3A_940, %broadcast_in_dim3A_941 : vector<8x512xi1>, vector<8x512xf32>
    %get3A_943 = arith.constant 0 : index
    %get3A_944 = arith.constant 0 : index
    %get3A_945 = vector.load %arg8[%get3A_943, %get3A_944] : memref<1x512xf32, #tpu.memory_space<vmem>>, vector<1x512xf32>
    %dot_general3A_946 = arith.constant dense<0.000000e+00> : vector<8x512xf32>
    %dot_general3A_947 = tpu.matmul %select_n3A_942, %mul3A_930, %dot_general3A_946 {dimension_numbers = #tpu.dot_dimension_numbers<[1], [0], [0], [1], [0, 0, 1, 1], [], []>, transpose_lhs_hint = false} : vector<8x512xf32>, vector<512x512xf32>, vector<8x512xf32> -> vector<8x512xf32>
    %slice3A_948 = vector.extract_strided_slice %dot_general3A_947 {offsets = [0, 0], sizes = [1, 512], strides = [1, 1]} : vector<8x512xf32> to vector<1x512xf32>
    %add3A_949 = arith.addf %get3A_945, %slice3A_948 : vector<1x512xf32>
    %swap3A_950 = arith.constant 0 : index
    %swap3A_951 = arith.constant 0 : index
    %swap3A_952 = vector.load %arg8[%swap3A_950, %swap3A_951] : memref<1x512xf32, #tpu.memory_space<vmem>>, vector<1x512xf32>
    tpu.vector_store %arg8[%swap3A_950, %swap3A_951], %add3A_949 {strides = array<i32>} : memref<1x512xf32, #tpu.memory_space<vmem>>, vector<1x512xf32>,
    %slice3A_953 = vector.extract_strided_slice %get3A_9 {offsets = [28, 0], sizes = [1, 512], strides = [1, 1]} : vector<32x512xbf16> to vector<1x512xbf16>
    %mul3A_954 = vector.broadcast %slice3A_953 : vector<1x512xbf16> to vector<512x512xbf16>
    %mul3A_955 = arith.mulf %get3A_3, %mul3A_954 : vector<512x512xbf16>
    %dot_general3A_956 = arith.constant dense<0.000000e+00> : vector<512x512xf32>
    %dot_general3A_957 = tpu.matmul %mul3A_955, %get3A_6, %dot_general3A_956 {dimension_numbers = #tpu.dot_dimension_numbers<[1], [0], [0], [1], [0, 0, 1, 1], [], []>, transpose_lhs_hint = false} : vector<512x512xbf16>, vector<512x512xbf16>, vector<512x512xf32> -> vector<512x512xf32>
    %log3A_958 = math.log %dot_general3A_957 : vector<512x512xf32>
    %log3A_959 = arith.constant 2.000000e+00 : f32
    %log3A_960 = math.log %log3A_959 : f32
    %div3A_961 = vector.broadcast %log3A_960 : f32 to vector<512x512xf32>
    %div3A_962 = arith.divf %log3A_958, %div3A_961 : vector<512x512xf32>
    %mul3A_963 = arith.mulf %dot_general3A_957, %div3A_962 : vector<512x512xf32>
    %iota3A_964 = tpu.iota {dimensions = array<i32: 0>} : vector<8x512xi32>
    %eq3A_965 = arith.constant 0 : i32
    %eq3A_966 = vector.broadcast %eq3A_965 : i32 to vector<8x512xi32>
    %eq3A_967 = arith.cmpi eq, %iota3A_964, %eq3A_966 : vector<8x512xi32>
    %get3A_968 = arith.constant 28 : index
    %get3A_969 = arith.constant 0 : index
    %get3A_970 = vector.load %arg2[%get3A_968, %get3A_969] : memref<32x512xf32, #tpu.memory_space<vmem>>, vector<1x512xf32>
    %jit3A_971 = arith.constant 0.000000e+00 : f32
    %broadcast_in_dim3A_972 = vector.shape_cast %get3A_970 : vector<1x512xf32> to vector<1x512xf32>
    %broadcast_in_dim3A_973 = vector.broadcast %broadcast_in_dim3A_972 : vector<1x512xf32> to vector<8x512xf32>
    %broadcast_in_dim3A_974 = vector.broadcast %jit3A_971 : f32 to vector<8x512xf32>
    %select_n3A_975 = arith.select %eq3A_967, %broadcast_in_dim3A_973, %broadcast_in_dim3A_974 : vector<8x512xi1>, vector<8x512xf32>
    %get3A_976 = arith.constant 0 : index
    %get3A_977 = arith.constant 0 : index
    %get3A_978 = vector.load %arg8[%get3A_976, %get3A_977] : memref<1x512xf32, #tpu.memory_space<vmem>>, vector<1x512xf32>
    %dot_general3A_979 = arith.constant dense<0.000000e+00> : vector<8x512xf32>
    %dot_general3A_980 = tpu.matmul %select_n3A_975, %mul3A_963, %dot_general3A_979 {dimension_numbers = #tpu.dot_dimension_numbers<[1], [0], [0], [1], [0, 0, 1, 1], [], []>, transpose_lhs_hint = false} : vector<8x512xf32>, vector<512x512xf32>, vector<8x512xf32> -> vector<8x512xf32>
    %slice3A_981 = vector.extract_strided_slice %dot_general3A_980 {offsets = [0, 0], sizes = [1, 512], strides = [1, 1]} : vector<8x512xf32> to vector<1x512xf32>
    %add3A_982 = arith.addf %get3A_978, %slice3A_981 : vector<1x512xf32>
    %swap3A_983 = arith.constant 0 : index
    %swap3A_984 = arith.constant 0 : index
    %swap3A_985 = vector.load %arg8[%swap3A_983, %swap3A_984] : memref<1x512xf32, #tpu.memory_space<vmem>>, vector<1x512xf32>
    tpu.vector_store %arg8[%swap3A_983, %swap3A_984], %add3A_982 {strides = array<i32>} : memref<1x512xf32, #tpu.memory_space<vmem>>, vector<1x512xf32>,
    %slice3A_986 = vector.extract_strided_slice %get3A_9 {offsets = [29, 0], sizes = [1, 512], strides = [1, 1]} : vector<32x512xbf16> to vector<1x512xbf16>
    %mul3A_987 = vector.broadcast %slice3A_986 : vector<1x512xbf16> to vector<512x512xbf16>
    %mul3A_988 = arith.mulf %get3A_3, %mul3A_987 : vector<512x512xbf16>
    %dot_general3A_989 = arith.constant dense<0.000000e+00> : vector<512x512xf32>
    %dot_general3A_990 = tpu.matmul %mul3A_988, %get3A_6, %dot_general3A_989 {dimension_numbers = #tpu.dot_dimension_numbers<[1], [0], [0], [1], [0, 0, 1, 1], [], []>, transpose_lhs_hint = false} : vector<512x512xbf16>, vector<512x512xbf16>, vector<512x512xf32> -> vector<512x512xf32>
    %log3A_991 = math.log %dot_general3A_990 : vector<512x512xf32>
    %log3A_992 = arith.constant 2.000000e+00 : f32
    %log3A_993 = math.log %log3A_992 : f32
    %div3A_994 = vector.broadcast %log3A_993 : f32 to vector<512x512xf32>
    %div3A_995 = arith.divf %log3A_991, %div3A_994 : vector<512x512xf32>
    %mul3A_996 = arith.mulf %dot_general3A_990, %div3A_995 : vector<512x512xf32>
    %iota3A_997 = tpu.iota {dimensions = array<i32: 0>} : vector<8x512xi32>
    %eq3A_998 = arith.constant 0 : i32
    %eq3A_999 = vector.broadcast %eq3A_998 : i32 to vector<8x512xi32>
    %eq3A_1000 = arith.cmpi eq, %iota3A_997, %eq3A_999 : vector<8x512xi32>
    %get3A_1001 = arith.constant 29 : index
    %get3A_1002 = arith.constant 0 : index
    %get3A_1003 = vector.load %arg2[%get3A_1001, %get3A_1002] : memref<32x512xf32, #tpu.memory_space<vmem>>, vector<1x512xf32>
    %jit3A_1004 = arith.constant 0.000000e+00 : f32
    %broadcast_in_dim3A_1005 = vector.shape_cast %get3A_1003 : vector<1x512xf32> to vector<1x512xf32>
    %broadcast_in_dim3A_1006 = vector.broadcast %broadcast_in_dim3A_1005 : vector<1x512xf32> to vector<8x512xf32>
    %broadcast_in_dim3A_1007 = vector.broadcast %jit3A_1004 : f32 to vector<8x512xf32>
    %select_n3A_1008 = arith.select %eq3A_1000, %broadcast_in_dim3A_1006, %broadcast_in_dim3A_1007 : vector<8x512xi1>, vector<8x512xf32>
    %get3A_1009 = arith.constant 0 : index
    %get3A_1010 = arith.constant 0 : index
    %get3A_1011 = vector.load %arg8[%get3A_1009, %get3A_1010] : memref<1x512xf32, #tpu.memory_space<vmem>>, vector<1x512xf32>
    %dot_general3A_1012 = arith.constant dense<0.000000e+00> : vector<8x512xf32>
    %dot_general3A_1013 = tpu.matmul %select_n3A_1008, %mul3A_996, %dot_general3A_1012 {dimension_numbers = #tpu.dot_dimension_numbers<[1], [0], [0], [1], [0, 0, 1, 1], [], []>, transpose_lhs_hint = false} : vector<8x512xf32>, vector<512x512xf32>, vector<8x512xf32> -> vector<8x512xf32>
    %slice3A_1014 = vector.extract_strided_slice %dot_general3A_1013 {offsets = [0, 0], sizes = [1, 512], strides = [1, 1]} : vector<8x512xf32> to vector<1x512xf32>
    %add3A_1015 = arith.addf %get3A_1011, %slice3A_1014 : vector<1x512xf32>
    %swap3A_1016 = arith.constant 0 : index
    %swap3A_1017 = arith.constant 0 : index
    %swap3A_1018 = vector.load %arg8[%swap3A_1016, %swap3A_1017] : memref<1x512xf32, #tpu.memory_space<vmem>>, vector<1x512xf32>
    tpu.vector_store %arg8[%swap3A_1016, %swap3A_1017], %add3A_1015 {strides = array<i32>} : memref<1x512xf32, #tpu.memory_space<vmem>>, vector<1x512xf32>,
    %slice3A_1019 = vector.extract_strided_slice %get3A_9 {offsets = [30, 0], sizes = [1, 512], strides = [1, 1]} : vector<32x512xbf16> to vector<1x512xbf16>
    %mul3A_1020 = vector.broadcast %slice3A_1019 : vector<1x512xbf16> to vector<512x512xbf16>
    %mul3A_1021 = arith.mulf %get3A_3, %mul3A_1020 : vector<512x512xbf16>
    %dot_general3A_1022 = arith.constant dense<0.000000e+00> : vector<512x512xf32>
    %dot_general3A_1023 = tpu.matmul %mul3A_1021, %get3A_6, %dot_general3A_1022 {dimension_numbers = #tpu.dot_dimension_numbers<[1], [0], [0], [1], [0, 0, 1, 1], [], []>, transpose_lhs_hint = false} : vector<512x512xbf16>, vector<512x512xbf16>, vector<512x512xf32> -> vector<512x512xf32>
    %log3A_1024 = math.log %dot_general3A_1023 : vector<512x512xf32>
    %log3A_1025 = arith.constant 2.000000e+00 : f32
    %log3A_1026 = math.log %log3A_1025 : f32
    %div3A_1027 = vector.broadcast %log3A_1026 : f32 to vector<512x512xf32>
    %div3A_1028 = arith.divf %log3A_1024, %div3A_1027 : vector<512x512xf32>
    %mul3A_1029 = arith.mulf %dot_general3A_1023, %div3A_1028 : vector<512x512xf32>
    %iota3A_1030 = tpu.iota {dimensions = array<i32: 0>} : vector<8x512xi32>
    %eq3A_1031 = arith.constant 0 : i32
    %eq3A_1032 = vector.broadcast %eq3A_1031 : i32 to vector<8x512xi32>
    %eq3A_1033 = arith.cmpi eq, %iota3A_1030, %eq3A_1032 : vector<8x512xi32>
    %get3A_1034 = arith.constant 30 : index
    %get3A_1035 = arith.constant 0 : index
    %get3A_1036 = vector.load %arg2[%get3A_1034, %get3A_1035] : memref<32x512xf32, #tpu.memory_space<vmem>>, vector<1x512xf32>
    %jit3A_1037 = arith.constant 0.000000e+00 : f32
    %broadcast_in_dim3A_1038 = vector.shape_cast %get3A_1036 : vector<1x512xf32> to vector<1x512xf32>
    %broadcast_in_dim3A_1039 = vector.broadcast %broadcast_in_dim3A_1038 : vector<1x512xf32> to vector<8x512xf32>
    %broadcast_in_dim3A_1040 = vector.broadcast %jit3A_1037 : f32 to vector<8x512xf32>
    %select_n3A_1041 = arith.select %eq3A_1033, %broadcast_in_dim3A_1039, %broadcast_in_dim3A_1040 : vector<8x512xi1>, vector<8x512xf32>
    %get3A_1042 = arith.constant 0 : index
    %get3A_1043 = arith.constant 0 : index
    %get3A_1044 = vector.load %arg8[%get3A_1042, %get3A_1043] : memref<1x512xf32, #tpu.memory_space<vmem>>, vector<1x512xf32>
    %dot_general3A_1045 = arith.constant dense<0.000000e+00> : vector<8x512xf32>
    %dot_general3A_1046 = tpu.matmul %select_n3A_1041, %mul3A_1029, %dot_general3A_1045 {dimension_numbers = #tpu.dot_dimension_numbers<[1], [0], [0], [1], [0, 0, 1, 1], [], []>, transpose_lhs_hint = false} : vector<8x512xf32>, vector<512x512xf32>, vector<8x512xf32> -> vector<8x512xf32>
    %slice3A_1047 = vector.extract_strided_slice %dot_general3A_1046 {offsets = [0, 0], sizes = [1, 512], strides = [1, 1]} : vector<8x512xf32> to vector<1x512xf32>
    %add3A_1048 = arith.addf %get3A_1044, %slice3A_1047 : vector<1x512xf32>
    %swap3A_1049 = arith.constant 0 : index
    %swap3A_1050 = arith.constant 0 : index
    %swap3A_1051 = vector.load %arg8[%swap3A_1049, %swap3A_1050] : memref<1x512xf32, #tpu.memory_space<vmem>>, vector<1x512xf32>
    tpu.vector_store %arg8[%swap3A_1049, %swap3A_1050], %add3A_1048 {strides = array<i32>} : memref<1x512xf32, #tpu.memory_space<vmem>>, vector<1x512xf32>,
    %slice3A_1052 = vector.extract_strided_slice %get3A_9 {offsets = [31, 0], sizes = [1, 512], strides = [1, 1]} : vector<32x512xbf16> to vector<1x512xbf16>
    %mul3A_1053 = vector.broadcast %slice3A_1052 : vector<1x512xbf16> to vector<512x512xbf16>
    %mul3A_1054 = arith.mulf %get3A_3, %mul3A_1053 : vector<512x512xbf16>
    %dot_general3A_1055 = arith.constant dense<0.000000e+00> : vector<512x512xf32>
    %dot_general3A_1056 = tpu.matmul %mul3A_1054, %get3A_6, %dot_general3A_1055 {dimension_numbers = #tpu.dot_dimension_numbers<[1], [0], [0], [1], [0, 0, 1, 1], [], []>, transpose_lhs_hint = false} : vector<512x512xbf16>, vector<512x512xbf16>, vector<512x512xf32> -> vector<512x512xf32>
    %log3A_1057 = math.log %dot_general3A_1056 : vector<512x512xf32>
    %log3A_1058 = arith.constant 2.000000e+00 : f32
    %log3A_1059 = math.log %log3A_1058 : f32
    %div3A_1060 = vector.broadcast %log3A_1059 : f32 to vector<512x512xf32>
    %div3A_1061 = arith.divf %log3A_1057, %div3A_1060 : vector<512x512xf32>
    %mul3A_1062 = arith.mulf %dot_general3A_1056, %div3A_1061 : vector<512x512xf32>
    %iota3A_1063 = tpu.iota {dimensions = array<i32: 0>} : vector<8x512xi32>
    %eq3A_1064 = arith.constant 0 : i32
    %eq3A_1065 = vector.broadcast %eq3A_1064 : i32 to vector<8x512xi32>
    %eq3A_1066 = arith.cmpi eq, %iota3A_1063, %eq3A_1065 : vector<8x512xi32>
    %get3A_1067 = arith.constant 31 : index
    %get3A_1068 = arith.constant 0 : index
    %get3A_1069 = vector.load %arg2[%get3A_1067, %get3A_1068] : memref<32x512xf32, #tpu.memory_space<vmem>>, vector<1x512xf32>
    %jit3A_1070 = arith.constant 0.000000e+00 : f32
    %broadcast_in_dim3A_1071 = vector.shape_cast %get3A_1069 : vector<1x512xf32> to vector<1x512xf32>
    %broadcast_in_dim3A_1072 = vector.broadcast %broadcast_in_dim3A_1071 : vector<1x512xf32> to vector<8x512xf32>
    %broadcast_in_dim3A_1073 = vector.broadcast %jit3A_1070 : f32 to vector<8x512xf32>
    %select_n3A_1074 = arith.select %eq3A_1066, %broadcast_in_dim3A_1072, %broadcast_in_dim3A_1073 : vector<8x512xi1>, vector<8x512xf32>
    %get3A_1075 = arith.constant 0 : index
    %get3A_1076 = arith.constant 0 : index
    %get3A_1077 = vector.load %arg8[%get3A_1075, %get3A_1076] : memref<1x512xf32, #tpu.memory_space<vmem>>, vector<1x512xf32>
    %dot_general3A_1078 = arith.constant dense<0.000000e+00> : vector<8x512xf32>
    %dot_general3A_1079 = tpu.matmul %select_n3A_1074, %mul3A_1062, %dot_general3A_1078 {dimension_numbers = #tpu.dot_dimension_numbers<[1], [0], [0], [1], [0, 0, 1, 1], [], []>, transpose_lhs_hint = false} : vector<8x512xf32>, vector<512x512xf32>, vector<8x512xf32> -> vector<8x512xf32>
    %slice3A_1080 = vector.extract_strided_slice %dot_general3A_1079 {offsets = [0, 0], sizes = [1, 512], strides = [1, 1]} : vector<8x512xf32> to vector<1x512xf32>
    %add3A_1081 = arith.addf %get3A_1077, %slice3A_1080 : vector<1x512xf32>
    %swap3A_1082 = arith.constant 0 : index
    %swap3A_1083 = arith.constant 0 : index
    %swap3A_1084 = vector.load %arg8[%swap3A_1082, %swap3A_1083] : memref<1x512xf32, #tpu.memory_space<vmem>>, vector<1x512xf32>
    tpu.vector_store %arg8[%swap3A_1082, %swap3A_1083], %add3A_1081 {strides = array<i32>} : memref<1x512xf32, #tpu.memory_space<vmem>>, vector<1x512xf32>,
    %eq3A_1085 = arith.constant 15 : i32
    %eq3A_1086 = arith.cmpi eq, %arg0, %eq3A_1085 : i32
    %convert_element_type3A_1087 = arith.extui %eq3A_1086 : i1 to i32
    %cond3A_1088 = arith.constant 0 : i32
    %cond3A_1089 = arith.cmpi ne, %convert_element_type3A_1087, %cond3A_1088 : i32
    scf.if %cond3A_1089 {
      %get3A_1090 = arith.constant 0 : index
      %get3A_1091 = arith.constant 0 : index
      %get3A_1092 = vector.load %arg6[%get3A_1090, %get3A_1091] : memref<1x1xf32, #tpu.memory_space<vmem>>, vector<1x1xf32>
      %get3A_1093 = arith.constant 0 : index
      %get3A_1094 = arith.constant 0 : index
      %get3A_1095 = vector.load %arg8[%get3A_1093, %get3A_1094] : memref<1x512xf32, #tpu.memory_space<vmem>>, vector<1x512xf32>
      %reduce_sum3A_1096 = arith.constant dense<0.000000e+00> : vector<1xf32>
      %reduce_sum3A_1097 = vector.multi_reduction <add>, %get3A_1095, %reduce_sum3A_1096 [1] : vector<1x512xf32> to vector<1xf32>
      %broadcast_in_dim3A_1098 = vector.shape_cast %reduce_sum3A_1097 : vector<1xf32> to vector<1x1xf32>
      %get3A_1099 = arith.constant 0 : index
      %get3A_1100 = arith.constant 0 : index
      %get3A_1101 = vector.load %arg9[%get3A_1099, %get3A_1100] : memref<1x1xf32, #tpu.memory_space<vmem>>, vector<1x1xf32>
      %add3A_1102 = arith.addf %broadcast_in_dim3A_1098, %get3A_1101 : vector<1x1xf32>
      %mul3A_1103 = arith.constant 1.000000e-01 : f32
      %mul3A_1104 = vector.broadcast %mul3A_1103 : f32 to vector<1x1xf32>
      %mul3A_1105 = arith.mulf %mul3A_1104, %add3A_1102 : vector<1x1xf32>
      %add3A_1106 = arith.addf %get3A_1092, %mul3A_1105 : vector<1x1xf32>
      %swap3A_1107 = arith.constant 0 : index
      %swap3A_1108 = arith.constant 0 : index
      %swap3A_1109 = vector.load %arg7[%swap3A_1107, %swap3A_1108] : memref<1x1xf32, #tpu.memory_space<vmem>>, vector<1x1xf32>
      tpu.vector_store %arg7[%swap3A_1107, %swap3A_1108], %add3A_1106 {strides = array<i32>} : memref<1x1xf32, #tpu.memory_space<vmem>>, vector<1x1xf32>,
    } else {
    }
    return
  }
  func.func @transform_0(%arg0: i32) -> (i32, i32) {
    %c0_i32 = arith.constant 0 : i32
    %c0_i32_0 = arith.constant 0 : i32
    return %arg0, %c0_i32 : i32, i32
  }
  func.func @transform_1(%arg0: i32) -> (i32, i32) {
    %c0_i32 = arith.constant 0 : i32
    %c0_i32_0 = arith.constant 0 : i32
    return %arg0, %c0_i32 : i32, i32
  }
  func.func @transform_2(%arg0: i32) -> (i32, i32) {
    %c0_i32 = arith.constant 0 : i32
    %c0_i32_0 = arith.constant 0 : i32
    %c0_i32_1 = arith.constant 0 : i32
    return %c0_i32, %c0_i32_0 : i32, i32
  }
  func.func @transform_3(%arg0: i32) -> (i32, i32) {
    %c0_i32 = arith.constant 0 : i32
    %c0_i32_0 = arith.constant 0 : i32
    %c0_i32_1 = arith.constant 0 : i32
    return %c0_i32, %c0_i32_0 : i32, i32
  }
  func.func @transform_4(%arg0: i32) -> (i32, i32) {
    %c0_i32 = arith.constant 0 : i32
    %c0_i32_0 = arith.constant 0 : i32
    %c0_i32_1 = arith.constant 0 : i32
    return %c0_i32, %c0_i32_0 : i32, i32
  }
  func.func @transform_5(%arg0: i32) -> (i32, i32) {
    %c0_i32 = arith.constant 0 : i32
    %c0_i32_0 = arith.constant 0 : i32
    %c0_i32_1 = arith.constant 0 : i32
    return %c0_i32, %c0_i32_0 : i32, i32
  }
  func.func @transform_6(%arg0: i32) -> (i32, i32) {
    %c0_i32 = arith.constant 0 : i32
    %c0_i32_0 = arith.constant 0 : i32
    %c0_i32_1 = arith.constant 0 : i32
    return %c0_i32, %c0_i32_0 : i32, i32
  }
}

</mosaic_0001>

<sc_bundles>
// kernel: kernel.5.cloned.1.call-start
scs
__scs_entry_jumppad:
0x0: {  	(pc) =	sbr.rel $0x88, $3  }
0x1: {  	(tag) =	ssettag $0x0;
	lr =	simm.s32 $0x1  }
0x2: {  	[smem:$0x3F9E] =	sst lr;
	_ =	strace $0xD0000000  }
0x3: {  	_ = 	snop  }
0x4: {  	_ = 	snop  }
0x5: {  	_ = 	snop  }
0x6: {  	_ = 	snop  }
0x7: {  	_ = 	snop  }
__scs_overlays_trampoline_lowered:
0x8: {  	[smem:$0x3FAD] =	sst s0  }
0x9: {  	[smem:$0x3FAE] =	sst s1  }
0xa: {  	[smem:$0x3FAF] =	sst s2  }
0xb: {  	[smem:$0x3FB0] =	sst s3  }
0xc: {  	[smem:$0x3FB1] =	sst s4  }
0xd: {  	[smem:$0x3FB2] =	sst s5  }
0xe: {  	[smem:$0x3FB3] =	sst s6  }
0xf: {  	[smem:$0x3FB4] =	sst s7  }
0x10: {  	[smem:$0x3FB5] =	sst s8  }
0x11: {  	[smem:$0x3FB6] =	sst s9;
	s0 =	simm.s32 @!p0 $0x0  }
0x12: {  	s1 =	sld [smem:$0x3F9C];
	s0 =	simm.s32 @p0 $0x1  }
0x13: {  	[smem:$0x3FB7] =	sst s0;
	s0 =	simm.s32 @!p1 $0x0  }
0x14: {  	s2 =	sld [smem:$0x3F9B];
	s0 =	simm.s32 @p1 $0x1  }
0x15: {  	[smem:$0x3FB8] =	sst s0;
	s0 =	simm.s32 @!p2 $0x0  }
0x16: {  	s3 =	sld [smem:$0x3FDB];
	s0 =	simm.s32 @p2 $0x1  }
0x17: {  	s4 =	simm.s32 $0x1BF5;
	[smem:$0x3FBA] =	sst s0  }
0x18: {  	s0 =	sld [smem:$0x3F9D];
	_ =	swait.ge [sflag:s4], $0x0  }
0x19: {  	s7 =	sld [smem:$0x3F9E]  }
0x1a: {  	s8 =	sadd.s32 $0xFFFFE003, lr  }
0x1b: {  	s9 =	sadd.s32 $0xFFFFFEF7, lr;
	s5 =	simm.s32 $0xFFFFFFFF;
	p2 =	slt.u32 s8, $0xFFFFF086  }
0x1c: {  	p1 =	slt.u32 s9, $0xF7A;
	s5 =	simm.s32 @!p2 $0x0  }
0x1d: {  	s5 =	simm.s32 @p1 $0x1;
	p0 =	seq.s32 s7, s2  }
0x1e: {  	s7 =	smul.u32 @!p0 $0xF7A, s2;
	p2 =	seq.s32 @!p0 s5, $0x0  }
0x1f: {  	s9 =	smul.u32 $0xF7A, s1;
	s8 =	simm.s32 @!p0 $0x1BF5;
	p2 =	por !p2, p0  }
0x20: {  	[sflag:s8] =	ssyncset.s32 @!p0 $0xFFFFF086;
	s6 =	sadd.s32 @!p0 s3, s7;
	s7 =	simm.s32 @!p0 $0x108  }
0x21: {  	s3 =	sadd.s32 s3, s9;
	s6 =	sadd.s32 @!p0 $0x88, s6;
	s7 =	simm.s32 @p2 $0x1082  }
0x22: {  	[simem:s7], [sflag:s8] =	dma.local @!p0 [hbm:s6], $0xF7A  }
0x23: {  	s9 =	sor.u32 $0xD0000000, s2;
	s6 =	simm.s32 $0x108;
	_ =	swait.ge @!p0 [sflag:s8], $0x0  }
0x24: {  	s3 =	sadd.s32 $0x88, s3;
	s6 =	simm.s32 @!p1 $0x1082;
	[sflag:s4] =	ssyncset.s32 $0xFFFFF086  }
0x25: {  	[simem:s6], [sflag:s4] =	dma.local [hbm:s3], $0xF7A  }
0x26: {  	[smem:$0x3F9E] =	sst s1;
	(tag) =	ssettag s2;
	_ =	strace s9  }
0x27: {  	s1 =	sld [smem:$0x3FAE]  }
0x28: {  	s2 =	sld [smem:$0x3FAF]  }
0x29: {  	s4 =	sld [smem:$0x3FB1]  }
0x2a: {  	p0 =	seq.s32 s5, $0x0;
	s5 =	sld [smem:$0x3FB2]  }
0x2b: {  	s6 =	sld [smem:$0x3FB3]  }
0x2c: {  	s7 =	sld [smem:$0x3FB4]  }
0x2d: {  	s3 =	simm.s32 $0x108;
	s8 =	sld [smem:$0x3FB5]  }
0x2e: {  	s3 =	simm.s32 @!p0 $0x1082;
	s9 =	sld [smem:$0x3FB6]  }
0x2f: {  	lr =	sadd.s32 s0, s3;
	s0 =	sld [smem:$0x3FAD]  }
0x30: {  	s3 =	sld [smem:$0x3FB0]  }
0x31: {  	[smem:$0x3FB9] =	sst s10  }
0x32: {  	s10 =	sld [smem:$0x3FB7];
	_ =	sdelay $0x3  }
0x33: {  	p0 =	seq.s32 s10, $0x1;
	s10 =	sld [smem:$0x3FB9];
	_ =	sdelay $0x3  }
0x34: {  	[smem:$0x3FB9] =	sst s10  }
0x35: {  	s10 =	sld [smem:$0x3FB8];
	_ =	sdelay $0x3  }
0x36: {  	p1 =	seq.s32 s10, $0x1;
	s10 =	sld [smem:$0x3FB9];
	_ =	sdelay $0x3  }
0x37: {  	[smem:$0x3FB9] =	sst s10  }
0x38: {  	s10 =	sld [smem:$0x3FBA]  }
0x39: {  	_ = 	snop;
	(pc) =	sbr.ind lr, $3  }
0x3a: {  	_ = 	snop  }
0x3b: {  	_ = 	snop  }
0x3c: {  	p2 =	seq.s32 s10, $0x1;
	s10 =	sld [smem:$0x3FB9]  }
0x3d: {  	_ =	shalt  }
0x3e: {  	_ =	shalt  }
0x3f: {  	_ =	shalt  }
0x40: {  	_ =	shalt  }
0x41: {  	_ =	shalt  }
0x42: {  	_ =	shalt  }
0x43: {  	_ =	shalt  }
0x44: {  	_ =	shalt  }
0x45: {  	_ =	shalt  }
0x46: {  	_ =	shalt  }
0x47: {  	_ =	shalt  }
0x48: {  	_ =	shalt  }
0x49: {  	_ =	shalt  }
0x4a: {  	_ =	shalt  }
0x4b: {  	_ =	shalt  }
0x4c: {  	_ =	shalt  }
0x4d: {  	_ =	shalt  }
0x4e: {  	_ =	shalt  }
0x4f: {  	_ =	shalt  }
0x50: {  	_ =	shalt  }
0x51: {  	_ =	shalt  }
0x52: {  	_ =	shalt  }
0x53: {  	_ =	shalt  }
0x54: {  	_ =	shalt  }
0x55: {  	_ =	shalt  }
0x56: {  	_ =	shalt  }
0x57: {  	_ =	shalt  }
0x58: {  	_ =	shalt  }
0x59: {  	_ =	shalt  }
0x5a: {  	_ =	shalt  }
0x5b: {  	_ =	shalt  }
0x5c: {  	_ =	shalt  }
0x5d: {  	_ =	shalt  }
0x5e: {  	_ =	shalt  }
0x5f: {  	_ =	shalt  }
0x60: {  	_ =	shalt  }
0x61: {  	_ =	shalt  }
0x62: {  	_ =	shalt  }
0x63: {  	_ =	shalt  }
0x64: {  	_ =	shalt  }
0x65: {  	_ =	shalt  }
0x66: {  	_ =	shalt  }
0x67: {  	_ =	shalt  }
0x68: {  	_ =	shalt  }
0x69: {  	_ =	shalt  }
0x6a: {  	_ =	shalt  }
0x6b: {  	_ =	shalt  }
0x6c: {  	_ =	shalt  }
0x6d: {  	_ =	shalt  }
0x6e: {  	_ =	shalt  }
0x6f: {  	_ =	shalt  }
0x70: {  	_ =	shalt  }
0x71: {  	_ =	shalt  }
0x72: {  	_ =	shalt  }
0x73: {  	_ =	shalt  }
0x74: {  	_ =	shalt  }
0x75: {  	_ =	shalt  }
0x76: {  	_ =	shalt  }
0x77: {  	_ =	shalt  }
0x78: {  	_ =	shalt  }
0x79: {  	_ =	shalt  }
0x7a: {  	_ =	shalt  }
0x7b: {  	_ =	shalt  }
0x7c: {  	_ =	shalt  }
0x7d: {  	_ =	shalt  }
0x7e: {  	_ =	shalt  }
0x7f: {  	_ =	shalt  }
0x80: {  	_ =	shalt  }
0x81: {  	_ =	shalt  }
0x82: {  	_ =	shalt  }
0x83: {  	_ =	shalt  }
0x84: {  	_ =	shalt  }
0x85: {  	_ =	shalt  }
0x86: {  	_ =	shalt  }
0x87: {  	_ =	shalt  }
.Lfunc_end0:
.L_simem_size_0:
called_computation_lowered:
.L_overlay_start_0:
0x88: {  	s2 =	sld [smem:$0x3FD9]  }
0x89: {  	s3 =	sld [smem:$0x3FFE];
	_ =	sdelay $0x1  }
0x8a: {  	s1 =	srdreg.scid  }
0x8b: {  	s0 =	sand.u32 $0x1, s1  }
0x8c: {  	s14 =	sshll.u32 s0, $0xA;
	s2 =	sadd.s32 s3, s2  }
0x8d: {  	s2 =	sadd.s32 s2, s14  }
0x8e: {  	[smem:$0x3FC5] =	sst s2  }
0x8f: {  	_ = 	snop  }
0x90: {  	s2 =	sld [smem:$0x3FD0];
	_ =	sdelay $0x2  }
0x91: {  	s15 =	simm.s32 $0xA;
	s4 =	simm.s32 $0x10  }
0x92: {  	[smem:s4], [sflag:s15] =	dma.local [hbm:s2], $0x1  }
0x93: {  	_ =	swait.eq [sflag:s15], $0x1  }
0x94: {  	[sflag:s15] =	ssyncset.done $0x0  }
0x95: {  	[sflag:s15] =	ssyncadd.s32 $0xFFFFFFFF  }
0x96: {  	s16 =	sld [smem:$0x10];
	(tm) =	ssettm $0x1  }
0x97: {  	s17 =	sld [smem:$0x3FFB];
	_ =	sdelay $0x3  }
0x98: {  	_ =	strace s17  }
0x99: {  	s3 =	sld [smem:$0x3FFC];
	_ =	sdelay $0x3  }
0x9a: {  	_ =	strace s3  }
0x9b: {  	s3 =	sld [smem:$0x3FFD];
	_ =	sdelay $0x3  }
0x9c: {  	_ =	strace s3  }
0x9d: {  	_ =	strace $0x8FFFFFFF  }
0x9e: {  	s18 =	sld [smem:$0x3FDB];
	_ =	sdelay $0x1  }
0x9f: {  	s19 =	simm.s32 $_scs_section_size  }
0xa0: {  	s5 =	simm.s32 $_size__tile_overlayer_lowered;
	s6 =	simm.s32 $_tile_overlayer_lowered  }
0xa1: {  	s22 =	simm.s32 $0x1BFF;
	s21 =	sshll.u32 s6, $0x1;
	s3 =	sadd.s32 s19, s18  }
0xa2: {  	s7 =	simm.s32 $0x0;
	s20 =	sshll.u32 s5, $0x1;
	s5 =	sadd.s32 s21, s3  }
0xa3: {  	[timem:s7], [sflag:s22] =	dma.local [hbm:s5], s20  }
0xa4: {  	_ =	swait.ge [sflag:s22], s20  }
0xa5: {  	s4 =	ssub.s32 $0x0, s20;
	[sflag:s22] =	ssyncset.done $0x0  }
0xa6: {  	[sflag:s22] =	ssyncadd.s32 s4;
	_ =	sdelay $0x1  }
0xa7: {  	s23 =	simm.s32 $0x1B8B  }
0xa8: {  	_ =	swait.ge [sflag:s23], $0x1  }
0xa9: {  	[sflag:s23] =	ssyncset.done $0x0  }
0xaa: {  	s25 =	simm.s32 $0x1B8E;
	s24 =	sld [smem:$0x3FFE];
	[sflag:s23] =	ssyncadd.s32 $0xFFFFFFFF  }
0xab: {  	s26 =	simm.s32 $execute0_lowered;
	[smem:$0x3FD2] =	sst s25  }
0xac: {  	s5 =	sshll.u32 s26, $0x1;
	_ =	strace $0x80000046;
	[dreg:$0x1] =	wrdreg $0xFFFFFFFF  }
0xad: {  	s28 =	simm.s32 $_size_execute0_lowered;
	s3 =	sadd.s32 s3, s5;
	[dreg:$0x0] =	wrdreg $0x0  }
0xae: {  	s5 =	sshll.u32 s28, $0x1;
	[dreg:$0x2] =	wrdreg s3  }
0xaf: {  	[dreg:$0x3] =	wrdreg s5  }
0xb0: {  	[dreg:$0x4] =	wrdreg $0xC0  }
0xb1: {  	_ =	task [dreg:s7], $0x5FFFF  }
0xb2: {  	[dreg:$0x1] =	wrdreg $0xFFFFFFFF  }
0xb3: {  	[dreg:$0x0] =	wrdreg $0x60  }
0xb4: {  	[dreg:$0x2] =	wrdreg s24  }
0xb5: {  	[dreg:$0x3] =	wrdreg s16  }
0xb6: {  	[dreg:$0x4] =	wrdreg $0x9  }
0xb7: {  	_ =	task.clear_ibuf [dreg:s7], $0x5FFFF;
	_ =	strace $0x90000046  }
0xb8: {  	s29 =	simm.s32 $0x9;
	_ =	strace $0x80000048  }
0xb9: {  	_ =	swait.ge [sflag:s29], $0x1  }
0xba: {  	[sflag:s29] =	ssyncadd.s32 $0xFFFFFFFF  }
0xbb: {  	_ =	strace $0x90000048  }
0xbc: {  	_ =	sfence  }
0xbd: {  	s30 =	sld [smem:$0x0];
	_ =	sdelay $0x2  }
0xbe: {  	s31 =	sshll.u32 s1, $0xD;
	s1 =	sshrl.u32 s1, $0x2  }
0xbf: {  	s3 =	sand.u32 $0x4000, s31;
	s1 =	sadd.s32 s1, s30  }
0xc0: {  	s0 =	sor.u32 s3, s0;
	s1 =	sshll.u32 s1, $0x11  }
0xc1: {  	s0 =	sor.u32 s1, s0  }
0xc2: {  	s0 =	sadd.s32 $0x8F2B, s0  }
0xc3: {  	[sflag:s0] =	ssyncadd.remote.s32 $0x1  }
0xc4: {  	_ =	sfence.sel $0xFFFF  }
0xc5: {  	[dreg:$0x0] =	wrdreg $0xFFFFFFFF;
	(pc) =	sbr.abs _section_cstart, $3  }
0xc6: {  	[dreg:$0x1] =	wrdreg $0xFFFFFFFF  }
0xc7: {  	_ =	task.clear_ibuf [dreg:s7], $0x2FFFF;
	_ =	strace $0x9FFFFFFF  }
0xc8: {  	(tm) =	ssettm $0x7FFFFFFF  }
0xc9: {  	_ =	shalt  }
tec
execute0_lowered:
.L_overlay_start_1:
0x0: {  	(tag) =	ssettag $0x1  }
0x1: {  	s1 =	srdreg.scid;
	s9 =	rddreg [dreg:$0x0]  }
0x2: {  	s0 =	stileid.u32;
	s3 =	rddreg [dreg:$0x1]  }
0x3: {  	s2 =	simm.s32 $0x0;
	s7 =	simm.s32 $0x80;
	s6 =	sand.u32 $0x1, s1  }
0x4: {  	s4 =	sshll.u32 s0, $0x5;
	s1 =	rddreg [dreg:$0x2];
	s5 =	sshll.u32 s6, $0x4  }
0x5: {  	s8 =	simm.s32 $0x1;
	[smem:$0x7FF] =	sst s2;
	s10 =	sor.u32 s5, s4  }
0x6: {  	_ =	strace $0x80000047;
	s11 =	ssub.s32 $0x2, s6;
	s4 =	sshrl.u32 s10, $0x3  }
0x7: {  	s6 =	simm.s32 $0x10;
	s4 =	sadd.s32 s3, s4;
	s3 =	simm.s32 $0x2  }
0x8: {  	[tilespmem:s2], [sflag:$0x2] =	stream.linear.gather [hbm4b:s4+s2], $0x10, $0x38;
	[tilespmem:$0x880] =	vst v63  }
0x9: {  	s5 =	sadd.s32 $0x600, s9;
	s12 =	sshrl.u32 s11, $0x1;
	_ =	swait.ge [sflag:s3], $0x10  }
0xa: {  	s10 =	sshll.u32 s10, $0x4;
	s31 =	ssub.s32 s11, s12;
	[sflag:s3] =	ssyncset.done $0x0  }
0xb: {  	s9 =	sadd.s32 s10, s9;
	s10 =	smax.u32 s31, $0x1;
	[sflag:s3] =	ssyncadd.s32 $0xFFFFFFF0  }
0xc: {  	[tilespmem:s7], [sflag:$0x1] =	stream.indirect.gather [hbm4b:s5+s6], $0x80, s2, s6, $0xb8;
	[tilespmem:$0x880] =	vst v63  }
0xd: {  	p0 =	sne.s32 s10, $0x1;
	_ =	swait.ge [sflag:s8], $0x800  }
.Ltmp0:
0xe: {  	[sflag:s8] =	ssyncset.done $0x0;
	(pc) =	sbr.rel @!p0 .LBB2_2-.Ltmp0, $4  }
0xf: {  	s9 =	sadd.s32 $0x2800, s9;
	[sflag:s8] =	ssyncadd.s32 $0xFFFFF800  }
0x10: {  	[hbm4b:s9+s2] =	stream.linear.scatter [tilespmem:s7], [sflag:$0x2], $0x800, $0x38;
	[tilespmem:$0x880] =	vst v63  }
0x11: {  	_ =	swait.ge [sflag:s3], $0x800  }
0x12: {  	s10 =	sadd.s32 $0xFFFFFFFF, s10;
	[sflag:s3] =	ssyncset.done $0x0  }
.LBB2_1:
0x13: {  	p0 =	sne.s32 s10, $0x1;
	s10 =	sadd.s32 $0xFFFFFFFF, s10;
	[sflag:s3] =	ssyncadd.s32 $0xFFFFF800  }
0x14: {  	[tilespmem:s2], [sflag:$0x2] =	stream.linear.gather [hbm4b:s4+s2], $0x10, $0x38;
	[tilespmem:$0x880] =	vst v63  }
0x15: {  	_ =	swait.ge [sflag:s3], $0x10  }
0x16: {  	[sflag:s3] =	ssyncset.done $0x0  }
0x17: {  	[sflag:s3] =	ssyncadd.s32 $0xFFFFFFF0  }
0x18: {  	[tilespmem:s7], [sflag:$0x1] =	stream.indirect.gather [hbm4b:s5+s6], $0x80, s2, s6, $0xb8;
	[tilespmem:$0x880] =	vst v63  }
0x19: {  	_ =	swait.ge [sflag:s8], $0x800  }
.Ltmp1:
0x1a: {  	[sflag:s8] =	ssyncset.done $0x0;
	(pc) =	sbr.rel @p0 .LBB2_1-.Ltmp1, $4  }
0x1b: {  	[sflag:s8] =	ssyncadd.s32 $0xFFFFF800  }
0x1c: {  	[hbm4b:s9+s2] =	stream.linear.scatter [tilespmem:s7], [sflag:$0x2], $0x800, $0x38;
	[tilespmem:$0x880] =	vst v63  }
0x1d: {  	_ =	swait.ge [sflag:s3], $0x800  }
0x1e: {  	[sflag:s3] =	ssyncset.done $0x0  }
.LBB2_2:
0x1f: {  	[sflag:s3] =	ssyncadd.s32 $0xFFFFF800  }
0x20: {  	_ =	sfence.sel $0x180000  }
0x21: {  	[bflag:$0x0] =	sbarrier.arrive $0xFFFF  }
0x22: {  	p0 =	sne.s32 s0, $0x0;
	_ =	strace $0x90000047  }
0x23: {  	s0 =	sadd.s32 @!p0 $0x100000, s1;
	[bflag:$0x2] =	sbarrier.arrive $0xFFFF  }
0x24: {  	[sflag:s0] =	ssyncadd.tile.s32 @!p0 $0x1;
	_ =	shalt  }
.Lfunc_end2:
_tile_overlayer_lowered:
.L_overlay_start_2:
0x25: {  	(tag) =	ssettag $0x2  }
0x26: {  	s0 =	rddreg [dreg:$0x0];
	s2 =	stileid.u32  }
0x27: {  	s1 =	rddreg [dreg:$0x1];
	p0 =	sne.s32 s2, $0x0  }
0x28: {  	s3 =	rddreg [dreg:$0x2];
	[bflag:$0x3] =	sbarrier.arrive $0xFFFF;
	s2 =	simm.s32 @!p0 $0x1C02  }
0x29: {  	[timem:s3], [sflag:s2] =	dma.local @!p0 [hbm:s0], s1  }
0x2a: {  	s0 =	simm.s32 @!p0 $0x2  }
0x2b: {  	_ =	swait.ge @!p0 [sflag:s0], s1  }
0x2c: {  	s1 =	ssub.s32 @!p0 $0x0, s1;
	[sflag:s0] =	ssyncset.done @!p0 $0x0  }
0x2d: {  	[sflag:s0] =	ssyncadd.s32 @!p0 s1  }
0x2e: {  	[bflag:$0x3] =	sbarrier.arrive $0xFFFF  }
0x2f: {  	_ =	shalt  }

</sc_bundles>
